<compile_context>
chip_gen: v7x
topology: tpu7x:2x2x1
jax: 0.10.2.dev20260603
libtpu: 0.0.44.dev20260713+nightly
codegen_flags: <defaults>
</compile_context>

<pallas_src>
import functools

import jax
import jax.numpy as jnp
from jax import lax
from jax.experimental import pallas as pl
from jax.experimental.pallas import tpu as pltpu
from jax.experimental.pallas import tpu_sc as plsc

N = 10000
D = 128
E = 320000

NC = 2
NS = 16
NW = NC * NS
EPW = E // NW
CHUNK = 80
NCHUNK = EPW // CHUNK
NPAD = 10240
AGG_PER_SUB = NPAD // NS
DEG_PER_SUB = NPAD // NS

ROWS_BLK = 1024



def _sc_aggregate(h, src, dst):
    mesh = plsc.VectorSubcoreMesh(
        core_axis_name="c", subcore_axis_name="s", num_cores=NC, num_subcores=NS
    )

    @functools.partial(
        pl.kernel,
        out_type=(
            jax.ShapeDtypeStruct((NC, NPAD, D), jnp.float32),
            jax.ShapeDtypeStruct((NC, NPAD), jnp.float32),
        ),
        mesh=mesh,
        scratch_types=(
            pltpu.VMEM_SHARED((NPAD, D), jnp.float32),
            pltpu.VMEM_SHARED((NPAD,), jnp.float32),
            pltpu.VMEM((CHUNK,), jnp.int32),
            pltpu.VMEM((CHUNK,), jnp.int32),
            pltpu.VMEM((CHUNK,), jnp.int32),
            pltpu.VMEM((CHUNK,), jnp.int32),
            pltpu.VMEM((CHUNK, D), jnp.float32),
            pltpu.VMEM((CHUNK, D), jnp.float32),
            pltpu.VMEM((CHUNK,), jnp.float32),
            pltpu.VMEM((DEG_PER_SUB,), jnp.float32),
            pltpu.SemaphoreType.DMA,
            pltpu.SemaphoreType.DMA,
        ),
    )
    def k(h_hbm, src_hbm, dst_hbm,
          agg_out, deg_out, agg_sh, deg_sh, sa_s, sa_d, sb_s, sb_d,
          rows0, rows1, ones_v, zcol, g0, g1):
        c = lax.axis_index("c")
        s = lax.axis_index("s")
        wid = c * NS + s

        o16 = jnp.ones((16,), jnp.float32)
        z16 = jnp.zeros((16,), jnp.float32)
        for t in range(CHUNK // 16):
            ones_v[pl.ds(16 * t, 16)] = o16

        def zrow(i, carry):
            r = i // (D // 16)
            q = i - r * (D // 16)
            rows0[r, pl.ds(q * 16, 16)] = z16
            return carry

        lax.fori_loop(0, CHUNK * (D // 16), zrow, 0)

        def zvec(i, carry):
            zcol[pl.ds(i * 16, 16)] = z16
            return carry

        lax.fori_loop(0, DEG_PER_SUB // 16, zvec, 0)

        for t in range(AGG_PER_SUB // CHUNK):
            pltpu.sync_copy(
                rows0, agg_sh.at[pl.ds(s * AGG_PER_SUB + t * CHUNK, CHUNK)]
            )
        pltpu.sync_copy(zcol, deg_sh.at[pl.ds(s * DEG_PER_SUB, DEG_PER_SUB)])
        plsc.subcore_barrier()

        def idx_fetch(ci, bs, bd):
            pltpu.sync_copy(src_hbm.at[wid, ci], bs)
            pltpu.sync_copy(dst_hbm.at[wid, ci], bd)

        def g_fire(sidx, rows, sem):
            pltpu.async_copy(h_hbm.at[sidx], rows, sem)

        def g_wait(rows, sem):
            pltpu.make_async_copy(h_hbm.at[sa_s], rows, sem).wait()

        def scat(didx, rows):
            pltpu.sync_copy(rows, agg_sh.at[didx], add=True)
            pltpu.sync_copy(ones_v, deg_sh.at[didx], add=True)

        idx_fetch(0, sa_s, sa_d)
        g_fire(sa_s, rows0, g0)

        def body(i, carry):
            c0 = 2 * i
            idx_fetch(c0 + 1, sb_s, sb_d)
            g_fire(sb_s, rows1, g1)
            g_wait(rows0, g0)
            scat(sa_d, rows0)
            idx_fetch(c0 + 2, sa_s, sa_d)
            g_fire(sa_s, rows0, g0)
            g_wait(rows1, g1)
            scat(sb_d, rows1)
            return carry

        lax.fori_loop(0, (NCHUNK - 1) // 2, body, 0)
        g_wait(rows0, g0)
        scat(sa_d, rows0)
        plsc.subcore_barrier()

        pltpu.sync_copy(
            agg_sh.at[pl.ds(s * AGG_PER_SUB, AGG_PER_SUB)],
            agg_out.at[c, pl.ds(s * AGG_PER_SUB, AGG_PER_SUB)],
        )
        pltpu.sync_copy(
            deg_sh.at[pl.ds(s * DEG_PER_SUB, DEG_PER_SUB)],
            deg_out.at[c, pl.ds(s * DEG_PER_SUB, DEG_PER_SUB)],
        )

    return k(h, src, dst)



def _pre_body(x_ref, w_ref, b_ref, o_ref):
    x = x_ref[...]
    n = jnp.sqrt(jnp.sum(x * x, axis=1, keepdims=True))
    n = jnp.maximum(n, 1e-7)
    u = (jnp.arctan2(n, jnp.ones_like(n)) / n) * x
    o_ref[...] = (
        lax.dot(u, w_ref[...], preferred_element_type=jnp.float32) + b_ref[...]
    )


def _combine(h_ref, a_ref, d_ref):
    h = h_ref[...]
    agg = a_ref[0] + a_ref[1]
    rows = pl.ds(pl.program_id(0) * ROWS_BLK, ROWS_BLK)
    deg = jnp.sum(d_ref[:, rows], axis=0)
    agg = agg / jnp.maximum(deg, 1.0)[:, None]
    out = jnp.maximum(h + agg, 0.0)
    nrm = jnp.sqrt(jnp.sum(out * out, axis=1, keepdims=True))
    return out / (nrm + 1e-7)


def _mid_body(h_ref, a_ref, d_ref, w_ref, b_ref, o_ref):
    u = _combine(h_ref, a_ref, d_ref)
    o_ref[...] = (
        lax.dot(u, w_ref[...], preferred_element_type=jnp.float32) + b_ref[...]
    )


def _post_body(h_ref, a_ref, d_ref, o_ref):
    u = _combine(h_ref, a_ref, d_ref)
    n = jnp.sqrt(jnp.sum(u * u, axis=1, keepdims=True))
    n = jnp.maximum(n, 1e-7)
    t = jnp.clip(n, 0.0, 1.5)
    o_ref[...] = (jnp.tan(t) / n) * u


def _row_grid(nrows):
    return pl.cdiv(nrows, ROWS_BLK)


_W_SPEC = pl.BlockSpec((D, D), lambda i: (0, 0))
_B_SPEC = pl.BlockSpec((1, D), lambda i: (0, 0))
_ROW_SPEC = pl.BlockSpec((ROWS_BLK, D), lambda i: (i, 0))
_AGG_SPEC = pl.BlockSpec((NC, ROWS_BLK, D), lambda i: (0, i, 0))
_DEG_SPEC = pl.BlockSpec((NC, NPAD), lambda i: (0, 0))


def _pre(x, w, b):
    return pl.pallas_call(
        _pre_body,
        grid=(_row_grid(N),),
        in_specs=[_ROW_SPEC, _W_SPEC, _B_SPEC],
        out_specs=_ROW_SPEC,
        out_shape=jax.ShapeDtypeStruct((N, D), jnp.float32),
    )(x, w, b)


def _mid(h, agg_part, deg_part, w, b):
    return pl.pallas_call(
        _mid_body,
        grid=(_row_grid(N),),
        in_specs=[_ROW_SPEC, _AGG_SPEC, _DEG_SPEC, _W_SPEC, _B_SPEC],
        out_specs=_ROW_SPEC,
        out_shape=jax.ShapeDtypeStruct((N, D), jnp.float32),
    )(h, agg_part, deg_part, w, b)


def _post(h, agg_part, deg_part):
    return pl.pallas_call(
        _post_body,
        grid=(_row_grid(N),),
        in_specs=[_ROW_SPEC, _AGG_SPEC, _DEG_SPEC],
        out_specs=_ROW_SPEC,
        out_shape=jax.ShapeDtypeStruct((N, D), jnp.float32),
    )(h, agg_part, deg_part)



def kernel(x, adj, W1, b1, W2, b2):
    b1r = b1.reshape(1, D)
    b2r = b2.reshape(1, D)

    src1 = adj[0, 0].reshape(NW, NCHUNK, CHUNK)
    dst1 = adj[0, 1].reshape(NW, NCHUNK, CHUNK)
    src2 = adj[1, 0].reshape(NW, NCHUNK, CHUNK)
    dst2 = adj[1, 1].reshape(NW, NCHUNK, CHUNK)

    h1 = _pre(x, W1, b1r)
    agg1, deg1 = _sc_aggregate(h1, src1, dst1)
    h2 = _mid(h1, agg1, deg1, W2, b2r)
    agg2, deg2 = _sc_aggregate(h2, src2, dst2)
    return _post(h2, agg2, deg2)

# --- scband reference (transcript-rebuilt; emitter-appended) ---
"""Pipeline reference for scband-sph-sageencoder-9869834846902 (READ-ONLY COPY).

The authoritative reference and input builder live on the scoring server;
editing this copy changes nothing except your own understanding.
"""

import jax, jax.numpy as jnp
import numpy as np

N = 10000
E = 320000
DIN = 128
DH = 128
DOUT = 128
K_IN = 1.0
K_OUT = 1.0


def _log0(y, k):
    # kappa-stereographic log map at origin (spherical, k > 0)
    n = jnp.linalg.norm(y, axis=-1, keepdims=True)
    n = jnp.maximum(n, 1e-7)
    sk = jnp.sqrt(k)
    return jnp.arctan(sk * n) / sk * (y / n)


def _exp0(u, k):
    # kappa-stereographic exp map at origin (spherical, k > 0)
    n = jnp.linalg.norm(u, axis=-1, keepdims=True)
    n = jnp.maximum(n, 1e-7)
    sk = jnp.sqrt(k)
    t = jnp.clip(sk * n, 0.0, 1.5)  # stay below pi/2 to avoid tan blow-up
    return jnp.tan(t) / sk * (u / n)


def _sph_sage_layer(x, edge_index, W, b, k_in, k_out):
    # 1) map to tangent space at origin, 2) linear transform,
    # 3) mean neighbor aggregation (scatter-add + degree normalize),
    # 4) combine self + agg, ReLU, row-normalize (use_norm=True),
    # 5) map back onto the output manifold.
    h = _log0(x, k_in) @ W + b
    src = edge_index[0]
    dst = edge_index[1]
    msgs = h[src]
    agg = jax.ops.segment_sum(msgs, dst, num_segments=N)
    deg = jax.ops.segment_sum(jnp.ones((edge_index.shape[1],), dtype=h.dtype), dst, num_segments=N)
    agg = agg / jnp.maximum(deg, 1.0)[:, None]
    out = jax.nn.relu(h + agg)
    out = out / (jnp.linalg.norm(out, axis=-1, keepdims=True) + 1e-7)
    return _exp0(out, k_out)


def setup_inputs(seed: int = 0) -> dict:
    key = jax.random.key(seed)
    ks = jax.random.split(key, 6)
    x = jax.random.normal(ks[0], (N, DIN), dtype=jnp.float32)
    adj = jax.random.randint(ks[1], (2, 2, E), 0, N, dtype=jnp.int32)
    W1 = jax.random.normal(ks[2], (DIN, DH), dtype=jnp.float32) * (1.0 / np.sqrt(DIN))
    b1 = jnp.zeros((DH,), dtype=jnp.float32)
    W2 = jax.random.normal(ks[3], (DH, DOUT), dtype=jnp.float32) * (1.0 / np.sqrt(DH))
    b2 = jnp.zeros((DOUT,), dtype=jnp.float32)
    return {"x": x, "adj": adj, "W1": W1, "b1": b1, "W2": W2, "b2": b2}


def reference(x, adj, W1, b1, W2, b2):
    h = _sph_sage_layer(x, adj[0], W1, b1, K_IN, K_OUT)
    out = _sph_sage_layer(h, adj[1], W2, b2, K_OUT, K_OUT)
    return out

if __name__ == "__main__":
    import jax
    _d = setup_inputs()
    print(jax.jit(kernel)(*tuple(_d.values())))

</pallas_src>

<mosaic_0001>
#map = affine_map<(d0, d1) -> (0, 0)>
#map1 = affine_map<(d0, d1) -> (0, 0, 0)>
module attributes {stable_mosaic.version = 14 : i64} {
  func.func @k(%arg0: i32, %arg1: i32, %arg2: memref<10000x128xf32, #tpu.memory_space<hbm>>, %arg3: memref<32x125x80xi32, #tpu.memory_space<hbm>>, %arg4: memref<32x125x80xi32, #tpu.memory_space<hbm>>, %arg5: memref<2x10240x128xf32, #tpu.memory_space<hbm>>, %arg6: memref<2x10240xf32, #tpu.memory_space<hbm>>, %arg7: memref<10240x128xf32, #tpu.memory_space<vmem_shared>>, %arg8: memref<10240xf32, #tpu.memory_space<vmem_shared>>, %arg9: memref<80xi32, #tpu.memory_space<vmem>>, %arg10: memref<80xi32, #tpu.memory_space<vmem>>, %arg11: memref<80xi32, #tpu.memory_space<vmem>>, %arg12: memref<80xi32, #tpu.memory_space<vmem>>, %arg13: memref<80x128xf32, #tpu.memory_space<vmem>>, %arg14: memref<80x128xf32, #tpu.memory_space<vmem>>, %arg15: memref<80xf32, #tpu.memory_space<vmem>>, %arg16: memref<640xf32, #tpu.memory_space<vmem>>, %arg17: memref<!tpu.dma_semaphore, #tpu.memory_space<semaphore_mem>>, %arg18: memref<!tpu.dma_semaphore, #tpu.memory_space<semaphore_mem>>) attributes {dimension_semantics = [#tpu.dimension_semantics<core_parallel>, #tpu.dimension_semantics<subcore_parallel>], iteration_bounds = array<i64: 2, 16>, scalar_prefetch = 0 : i64, scratch_operands = 12 : i64, tpu.core_type = #tpu.core_type<sc_vector_subcore>, window_params = [{transform_indices = #map}, {transform_indices = #map1}, {transform_indices = #map1}, {transform_indices = #map1}, {transform_indices = #map}]} {
    %mul3A = arith.constant 16 : i32
    %mul3A_0 = arith.muli %arg0, %mul3A : i32
    %add3A = arith.addi %mul3A_0, %arg1 : i32
    %broadcast_in_dim3A = arith.constant 1.000000e+00 : f32
    %broadcast_in_dim3A_1 = vector.broadcast %broadcast_in_dim3A : f32 to vector<16xf32>
    %broadcast_in_dim3A_2 = arith.constant 0.000000e+00 : f32
    %broadcast_in_dim3A_3 = vector.broadcast %broadcast_in_dim3A_2 : f32 to vector<16xf32>
    %swap3A = arith.constant 0 : index
    %swap3A_4 = tpu.vector_load %arg15[%swap3A] {strides = array<i32>} : memref<80xf32, #tpu.memory_space<vmem>>, vector<16xf32>,
    %swap3A_5 = vector.shape_cast %swap3A_4 : vector<16xf32> to vector<16xf32>
    %swap3A_6 = vector.shape_cast %broadcast_in_dim3A_1 : vector<16xf32> to vector<16xf32>
    tpu.vector_store %arg15[%swap3A], %swap3A_6 {strides = array<i32>} : memref<80xf32, #tpu.memory_space<vmem>>, vector<16xf32>,
    %swap3A_7 = arith.constant 16 : index
    %swap3A_8 = tpu.vector_load %arg15[%swap3A_7] {strides = array<i32>} : memref<80xf32, #tpu.memory_space<vmem>>, vector<16xf32>,
    %swap3A_9 = vector.shape_cast %swap3A_8 : vector<16xf32> to vector<16xf32>
    %swap3A_10 = vector.shape_cast %broadcast_in_dim3A_1 : vector<16xf32> to vector<16xf32>
    tpu.vector_store %arg15[%swap3A_7], %swap3A_10 {strides = array<i32>} : memref<80xf32, #tpu.memory_space<vmem>>, vector<16xf32>,
    %swap3A_11 = arith.constant 32 : index
    %swap3A_12 = tpu.vector_load %arg15[%swap3A_11] {strides = array<i32>} : memref<80xf32, #tpu.memory_space<vmem>>, vector<16xf32>,
    %swap3A_13 = vector.shape_cast %swap3A_12 : vector<16xf32> to vector<16xf32>
    %swap3A_14 = vector.shape_cast %broadcast_in_dim3A_1 : vector<16xf32> to vector<16xf32>
    tpu.vector_store %arg15[%swap3A_11], %swap3A_14 {strides = array<i32>} : memref<80xf32, #tpu.memory_space<vmem>>, vector<16xf32>,
    %swap3A_15 = arith.constant 48 : index
    %swap3A_16 = tpu.vector_load %arg15[%swap3A_15] {strides = array<i32>} : memref<80xf32, #tpu.memory_space<vmem>>, vector<16xf32>,
    %swap3A_17 = vector.shape_cast %swap3A_16 : vector<16xf32> to vector<16xf32>
    %swap3A_18 = vector.shape_cast %broadcast_in_dim3A_1 : vector<16xf32> to vector<16xf32>
    tpu.vector_store %arg15[%swap3A_15], %swap3A_18 {strides = array<i32>} : memref<80xf32, #tpu.memory_space<vmem>>, vector<16xf32>,
    %swap3A_19 = arith.constant 64 : index
    %swap3A_20 = tpu.vector_load %arg15[%swap3A_19] {strides = array<i32>} : memref<80xf32, #tpu.memory_space<vmem>>, vector<16xf32>,
    %swap3A_21 = vector.shape_cast %swap3A_20 : vector<16xf32> to vector<16xf32>
    %swap3A_22 = vector.shape_cast %broadcast_in_dim3A_1 : vector<16xf32> to vector<16xf32>
    tpu.vector_store %arg15[%swap3A_19], %swap3A_22 {strides = array<i32>} : memref<80xf32, #tpu.memory_space<vmem>>, vector<16xf32>,
    %scan3A = arith.constant 0 : i32
    %scan3A_23 = arith.constant 0 : i32
    %scan3A_24 = arith.constant 640 : i32
    %scan3A_25 = arith.addi %scan3A_23, %scan3A_24 : i32
    %scan3A_26 = arith.constant 1 : i32
    scf.for %scan3A_88 = %scan3A_23 to %scan3A_25 step %scan3A_26  : i32 {
      %jit3A = arith.constant 8 : i32
      %div3A = arith.divsi %scan3A_88, %jit3A : i32
      %sign3A = arith.constant 0 : i32
      %sign3A_89 = arith.cmpi sgt, %scan3A_88, %sign3A : i32
      %sign3A_90 = arith.extui %sign3A_89 : i1 to i32
      %sign3A_91 = arith.constant 0 : i32
      %sign3A_92 = arith.cmpi slt, %scan3A_88, %sign3A_91 : i32
      %sign3A_93 = arith.extui %sign3A_92 : i1 to i32
      %sign3A_94 = arith.subi %sign3A_90, %sign3A_93 : i32
      %sign3A_95 = arith.constant 0 : i32
      %sign3A_96 = arith.cmpi sgt, %jit3A, %sign3A_95 : i32
      %sign3A_97 = arith.extui %sign3A_96 : i1 to i32
      %sign3A_98 = arith.constant 0 : i32
      %sign3A_99 = arith.cmpi slt, %jit3A, %sign3A_98 : i32
      %sign3A_100 = arith.extui %sign3A_99 : i1 to i32
      %sign3A_101 = arith.subi %sign3A_97, %sign3A_100 : i32
      %ne3A = arith.cmpi ne, %sign3A_94, %sign3A_101 : i32
      %rem3A = arith.remsi %scan3A_88, %jit3A : i32
      %ne3A_102 = arith.constant 0 : i32
      %ne3A_103 = arith.cmpi ne, %rem3A, %ne3A_102 : i32
      %and3A = arith.andi %ne3A, %ne3A_103 : i1
      %sub3A = arith.constant 1 : i32
      %sub3A_104 = arith.subi %div3A, %sub3A : i32
      %select_n3A = arith.select %and3A, %sub3A_104, %div3A : i32
      %mul3A_105 = arith.constant 8 : i32
      %mul3A_106 = arith.muli %select_n3A, %mul3A_105 : i32
      %sub3A_107 = arith.subi %scan3A_88, %mul3A_106 : i32
      %mul3A_108 = arith.constant 16 : i32
      %mul3A_109 = arith.muli %sub3A_107, %mul3A_108 : i32
      %swap3A_110 = arith.index_cast %select_n3A : i32 to index
      %swap3A_111 = arith.index_cast %mul3A_109 : i32 to index
      %swap3A_112 = tpu.vector_load %arg13[%swap3A_110, %swap3A_111] {strides = array<i32>} : memref<80x128xf32, #tpu.memory_space<vmem>>, vector<1x16xf32>,
      %swap3A_113 = vector.shape_cast %swap3A_112 : vector<1x16xf32> to vector<16xf32>
      %swap3A_114 = vector.shape_cast %broadcast_in_dim3A_3 : vector<16xf32> to vector<1x16xf32>
      tpu.vector_store %arg13[%swap3A_110, %swap3A_111], %swap3A_114 {strides = array<i32>} : memref<80x128xf32, #tpu.memory_space<vmem>>, vector<1x16xf32>,
    }
    %scan3A_27 = arith.constant 640 : i32
    %scan3A_28 = arith.constant 0 : i32
    %scan3A_29 = arith.constant 0 : i32
    %scan3A_30 = arith.constant 40 : i32
    %scan3A_31 = arith.addi %scan3A_29, %scan3A_30 : i32
    %scan3A_32 = arith.constant 1 : i32
    scf.for %scan3A_88 = %scan3A_29 to %scan3A_31 step %scan3A_32  : i32 {
      %mul3A_89 = arith.constant 16 : i32
      %mul3A_90 = arith.muli %scan3A_88, %mul3A_89 : i32
      %swap3A_91 = arith.index_cast %mul3A_90 : i32 to index
      %swap3A_92 = tpu.vector_load %arg16[%swap3A_91] {strides = array<i32>} : memref<640xf32, #tpu.memory_space<vmem>>, vector<16xf32>,
      %swap3A_93 = vector.shape_cast %swap3A_92 : vector<16xf32> to vector<16xf32>
      %swap3A_94 = vector.shape_cast %broadcast_in_dim3A_3 : vector<16xf32> to vector<16xf32>
      tpu.vector_store %arg16[%swap3A_91], %swap3A_94 {strides = array<i32>} : memref<640xf32, #tpu.memory_space<vmem>>, vector<16xf32>,
    }
    %scan3A_33 = arith.constant 40 : i32
    %mul3A_34 = arith.constant 640 : i32
    %mul3A_35 = arith.muli %arg1, %mul3A_34 : i32
    %add3A_36 = arith.constant 0 : i32
    %add3A_37 = arith.addi %mul3A_35, %add3A_36 : i32
    "tpu.region"() ({
      %run_scoped3A_88 = tpu.sem_alloc : memref<!tpu.dma_semaphore, #tpu.memory_space<semaphore_mem>>
      %dma_start3A_89 = arith.constant 0 : i32
      %dma_start3A_90 = tpu.memref_slice %arg7[%add3A_37, %dma_start3A_89] : memref<10240x128xf32, #tpu.memory_space<vmem_shared>> -> memref<80x128xf32, #tpu.memory_space<vmem_shared>>
      %dma_start3A_91 = arith.constant 0 : i32
      %dma_start3A_92 = tpu.memref_slice %arg7[%add3A_37, %dma_start3A_91] : memref<10240x128xf32, #tpu.memory_space<vmem_shared>> -> memref<80x128xf32, #tpu.memory_space<vmem_shared>>
      tpu.enqueue_dma source(%arg13 : memref<80x128xf32, #tpu.memory_space<vmem>>) target(%dma_start3A_92 : memref<80x128xf32, #tpu.memory_space<vmem_shared>>) target_semaphore(%run_scoped3A_88 : memref<!tpu.dma_semaphore, #tpu.memory_space<semaphore_mem>>)
      %dma_wait3A_93 = arith.constant 0 : i32
      %dma_wait3A_94 = tpu.memref_slice %arg7[%add3A_37, %dma_wait3A_93] : memref<10240x128xf32, #tpu.memory_space<vmem_shared>> -> memref<80x128xf32, #tpu.memory_space<vmem_shared>>
      %dma_wait3A_95 = arith.constant 0 : i32
      %dma_wait3A_96 = tpu.memref_slice %arg7[%add3A_37, %dma_wait3A_95] : memref<10240x128xf32, #tpu.memory_space<vmem_shared>> -> memref<80x128xf32, #tpu.memory_space<vmem_shared>>
      tpu.wait_dma2 semaphore(%run_scoped3A_88 : memref<!tpu.dma_semaphore, #tpu.memory_space<semaphore_mem>>) src(%arg13 : memref<80x128xf32, #tpu.memory_space<vmem>>) dst(%dma_wait3A_96 : memref<80x128xf32, #tpu.memory_space<vmem_shared>>)
      tpu.yield
    }) : () -> ()
    %mul3A_38 = arith.constant 640 : i32
    %mul3A_39 = arith.muli %arg1, %mul3A_38 : i32
    %add3A_40 = arith.constant 80 : i32
    %add3A_41 = arith.addi %mul3A_39, %add3A_40 : i32
    "tpu.region"() ({
      %run_scoped3A_88 = tpu.sem_alloc : memref<!tpu.dma_semaphore, #tpu.memory_space<semaphore_mem>>
      %dma_start3A_89 = arith.constant 0 : i32
      %dma_start3A_90 = tpu.memref_slice %arg7[%add3A_41, %dma_start3A_89] : memref<10240x128xf32, #tpu.memory_space<vmem_shared>> -> memref<80x128xf32, #tpu.memory_space<vmem_shared>>
      %dma_start3A_91 = arith.constant 0 : i32
      %dma_start3A_92 = tpu.memref_slice %arg7[%add3A_41, %dma_start3A_91] : memref<10240x128xf32, #tpu.memory_space<vmem_shared>> -> memref<80x128xf32, #tpu.memory_space<vmem_shared>>
      tpu.enqueue_dma source(%arg13 : memref<80x128xf32, #tpu.memory_space<vmem>>) target(%dma_start3A_92 : memref<80x128xf32, #tpu.memory_space<vmem_shared>>) target_semaphore(%run_scoped3A_88 : memref<!tpu.dma_semaphore, #tpu.memory_space<semaphore_mem>>)
      %dma_wait3A_93 = arith.constant 0 : i32
      %dma_wait3A_94 = tpu.memref_slice %arg7[%add3A_41, %dma_wait3A_93] : memref<10240x128xf32, #tpu.memory_space<vmem_shared>> -> memref<80x128xf32, #tpu.memory_space<vmem_shared>>
      %dma_wait3A_95 = arith.constant 0 : i32
      %dma_wait3A_96 = tpu.memref_slice %arg7[%add3A_41, %dma_wait3A_95] : memref<10240x128xf32, #tpu.memory_space<vmem_shared>> -> memref<80x128xf32, #tpu.memory_space<vmem_shared>>
      tpu.wait_dma2 semaphore(%run_scoped3A_88 : memref<!tpu.dma_semaphore, #tpu.memory_space<semaphore_mem>>) src(%arg13 : memref<80x128xf32, #tpu.memory_space<vmem>>) dst(%dma_wait3A_96 : memref<80x128xf32, #tpu.memory_space<vmem_shared>>)
      tpu.yield
    }) : () -> ()
    %mul3A_42 = arith.constant 640 : i32
    %mul3A_43 = arith.muli %arg1, %mul3A_42 : i32
    %add3A_44 = arith.constant 160 : i32
    %add3A_45 = arith.addi %mul3A_43, %add3A_44 : i32
    "tpu.region"() ({
      %run_scoped3A_88 = tpu.sem_alloc : memref<!tpu.dma_semaphore, #tpu.memory_space<semaphore_mem>>
      %dma_start3A_89 = arith.constant 0 : i32
      %dma_start3A_90 = tpu.memref_slice %arg7[%add3A_45, %dma_start3A_89] : memref<10240x128xf32, #tpu.memory_space<vmem_shared>> -> memref<80x128xf32, #tpu.memory_space<vmem_shared>>
      %dma_start3A_91 = arith.constant 0 : i32
      %dma_start3A_92 = tpu.memref_slice %arg7[%add3A_45, %dma_start3A_91] : memref<10240x128xf32, #tpu.memory_space<vmem_shared>> -> memref<80x128xf32, #tpu.memory_space<vmem_shared>>
      tpu.enqueue_dma source(%arg13 : memref<80x128xf32, #tpu.memory_space<vmem>>) target(%dma_start3A_92 : memref<80x128xf32, #tpu.memory_space<vmem_shared>>) target_semaphore(%run_scoped3A_88 : memref<!tpu.dma_semaphore, #tpu.memory_space<semaphore_mem>>)
      %dma_wait3A_93 = arith.constant 0 : i32
      %dma_wait3A_94 = tpu.memref_slice %arg7[%add3A_45, %dma_wait3A_93] : memref<10240x128xf32, #tpu.memory_space<vmem_shared>> -> memref<80x128xf32, #tpu.memory_space<vmem_shared>>
      %dma_wait3A_95 = arith.constant 0 : i32
      %dma_wait3A_96 = tpu.memref_slice %arg7[%add3A_45, %dma_wait3A_95] : memref<10240x128xf32, #tpu.memory_space<vmem_shared>> -> memref<80x128xf32, #tpu.memory_space<vmem_shared>>
      tpu.wait_dma2 semaphore(%run_scoped3A_88 : memref<!tpu.dma_semaphore, #tpu.memory_space<semaphore_mem>>) src(%arg13 : memref<80x128xf32, #tpu.memory_space<vmem>>) dst(%dma_wait3A_96 : memref<80x128xf32, #tpu.memory_space<vmem_shared>>)
      tpu.yield
    }) : () -> ()
    %mul3A_46 = arith.constant 640 : i32
    %mul3A_47 = arith.muli %arg1, %mul3A_46 : i32
    %add3A_48 = arith.constant 240 : i32
    %add3A_49 = arith.addi %mul3A_47, %add3A_48 : i32
    "tpu.region"() ({
      %run_scoped3A_88 = tpu.sem_alloc : memref<!tpu.dma_semaphore, #tpu.memory_space<semaphore_mem>>
      %dma_start3A_89 = arith.constant 0 : i32
      %dma_start3A_90 = tpu.memref_slice %arg7[%add3A_49, %dma_start3A_89] : memref<10240x128xf32, #tpu.memory_space<vmem_shared>> -> memref<80x128xf32, #tpu.memory_space<vmem_shared>>
      %dma_start3A_91 = arith.constant 0 : i32
      %dma_start3A_92 = tpu.memref_slice %arg7[%add3A_49, %dma_start3A_91] : memref<10240x128xf32, #tpu.memory_space<vmem_shared>> -> memref<80x128xf32, #tpu.memory_space<vmem_shared>>
      tpu.enqueue_dma source(%arg13 : memref<80x128xf32, #tpu.memory_space<vmem>>) target(%dma_start3A_92 : memref<80x128xf32, #tpu.memory_space<vmem_shared>>) target_semaphore(%run_scoped3A_88 : memref<!tpu.dma_semaphore, #tpu.memory_space<semaphore_mem>>)
      %dma_wait3A_93 = arith.constant 0 : i32
      %dma_wait3A_94 = tpu.memref_slice %arg7[%add3A_49, %dma_wait3A_93] : memref<10240x128xf32, #tpu.memory_space<vmem_shared>> -> memref<80x128xf32, #tpu.memory_space<vmem_shared>>
      %dma_wait3A_95 = arith.constant 0 : i32
      %dma_wait3A_96 = tpu.memref_slice %arg7[%add3A_49, %dma_wait3A_95] : memref<10240x128xf32, #tpu.memory_space<vmem_shared>> -> memref<80x128xf32, #tpu.memory_space<vmem_shared>>
      tpu.wait_dma2 semaphore(%run_scoped3A_88 : memref<!tpu.dma_semaphore, #tpu.memory_space<semaphore_mem>>) src(%arg13 : memref<80x128xf32, #tpu.memory_space<vmem>>) dst(%dma_wait3A_96 : memref<80x128xf32, #tpu.memory_space<vmem_shared>>)
      tpu.yield
    }) : () -> ()
    %mul3A_50 = arith.constant 640 : i32
    %mul3A_51 = arith.muli %arg1, %mul3A_50 : i32
    %add3A_52 = arith.constant 320 : i32
    %add3A_53 = arith.addi %mul3A_51, %add3A_52 : i32
    "tpu.region"() ({
      %run_scoped3A_88 = tpu.sem_alloc : memref<!tpu.dma_semaphore, #tpu.memory_space<semaphore_mem>>
      %dma_start3A_89 = arith.constant 0 : i32
      %dma_start3A_90 = tpu.memref_slice %arg7[%add3A_53, %dma_start3A_89] : memref<10240x128xf32, #tpu.memory_space<vmem_shared>> -> memref<80x128xf32, #tpu.memory_space<vmem_shared>>
      %dma_start3A_91 = arith.constant 0 : i32
      %dma_start3A_92 = tpu.memref_slice %arg7[%add3A_53, %dma_start3A_91] : memref<10240x128xf32, #tpu.memory_space<vmem_shared>> -> memref<80x128xf32, #tpu.memory_space<vmem_shared>>
      tpu.enqueue_dma source(%arg13 : memref<80x128xf32, #tpu.memory_space<vmem>>) target(%dma_start3A_92 : memref<80x128xf32, #tpu.memory_space<vmem_shared>>) target_semaphore(%run_scoped3A_88 : memref<!tpu.dma_semaphore, #tpu.memory_space<semaphore_mem>>)
      %dma_wait3A_93 = arith.constant 0 : i32
      %dma_wait3A_94 = tpu.memref_slice %arg7[%add3A_53, %dma_wait3A_93] : memref<10240x128xf32, #tpu.memory_space<vmem_shared>> -> memref<80x128xf32, #tpu.memory_space<vmem_shared>>
      %dma_wait3A_95 = arith.constant 0 : i32
      %dma_wait3A_96 = tpu.memref_slice %arg7[%add3A_53, %dma_wait3A_95] : memref<10240x128xf32, #tpu.memory_space<vmem_shared>> -> memref<80x128xf32, #tpu.memory_space<vmem_shared>>
      tpu.wait_dma2 semaphore(%run_scoped3A_88 : memref<!tpu.dma_semaphore, #tpu.memory_space<semaphore_mem>>) src(%arg13 : memref<80x128xf32, #tpu.memory_space<vmem>>) dst(%dma_wait3A_96 : memref<80x128xf32, #tpu.memory_space<vmem_shared>>)
      tpu.yield
    }) : () -> ()
    %mul3A_54 = arith.constant 640 : i32
    %mul3A_55 = arith.muli %arg1, %mul3A_54 : i32
    %add3A_56 = arith.constant 400 : i32
    %add3A_57 = arith.addi %mul3A_55, %add3A_56 : i32
    "tpu.region"() ({
      %run_scoped3A_88 = tpu.sem_alloc : memref<!tpu.dma_semaphore, #tpu.memory_space<semaphore_mem>>
      %dma_start3A_89 = arith.constant 0 : i32
      %dma_start3A_90 = tpu.memref_slice %arg7[%add3A_57, %dma_start3A_89] : memref<10240x128xf32, #tpu.memory_space<vmem_shared>> -> memref<80x128xf32, #tpu.memory_space<vmem_shared>>
      %dma_start3A_91 = arith.constant 0 : i32
      %dma_start3A_92 = tpu.memref_slice %arg7[%add3A_57, %dma_start3A_91] : memref<10240x128xf32, #tpu.memory_space<vmem_shared>> -> memref<80x128xf32, #tpu.memory_space<vmem_shared>>
      tpu.enqueue_dma source(%arg13 : memref<80x128xf32, #tpu.memory_space<vmem>>) target(%dma_start3A_92 : memref<80x128xf32, #tpu.memory_space<vmem_shared>>) target_semaphore(%run_scoped3A_88 : memref<!tpu.dma_semaphore, #tpu.memory_space<semaphore_mem>>)
      %dma_wait3A_93 = arith.constant 0 : i32
      %dma_wait3A_94 = tpu.memref_slice %arg7[%add3A_57, %dma_wait3A_93] : memref<10240x128xf32, #tpu.memory_space<vmem_shared>> -> memref<80x128xf32, #tpu.memory_space<vmem_shared>>
      %dma_wait3A_95 = arith.constant 0 : i32
      %dma_wait3A_96 = tpu.memref_slice %arg7[%add3A_57, %dma_wait3A_95] : memref<10240x128xf32, #tpu.memory_space<vmem_shared>> -> memref<80x128xf32, #tpu.memory_space<vmem_shared>>
      tpu.wait_dma2 semaphore(%run_scoped3A_88 : memref<!tpu.dma_semaphore, #tpu.memory_space<semaphore_mem>>) src(%arg13 : memref<80x128xf32, #tpu.memory_space<vmem>>) dst(%dma_wait3A_96 : memref<80x128xf32, #tpu.memory_space<vmem_shared>>)
      tpu.yield
    }) : () -> ()
    %mul3A_58 = arith.constant 640 : i32
    %mul3A_59 = arith.muli %arg1, %mul3A_58 : i32
    %add3A_60 = arith.constant 480 : i32
    %add3A_61 = arith.addi %mul3A_59, %add3A_60 : i32
    "tpu.region"() ({
      %run_scoped3A_88 = tpu.sem_alloc : memref<!tpu.dma_semaphore, #tpu.memory_space<semaphore_mem>>
      %dma_start3A_89 = arith.constant 0 : i32
      %dma_start3A_90 = tpu.memref_slice %arg7[%add3A_61, %dma_start3A_89] : memref<10240x128xf32, #tpu.memory_space<vmem_shared>> -> memref<80x128xf32, #tpu.memory_space<vmem_shared>>
      %dma_start3A_91 = arith.constant 0 : i32
      %dma_start3A_92 = tpu.memref_slice %arg7[%add3A_61, %dma_start3A_91] : memref<10240x128xf32, #tpu.memory_space<vmem_shared>> -> memref<80x128xf32, #tpu.memory_space<vmem_shared>>
      tpu.enqueue_dma source(%arg13 : memref<80x128xf32, #tpu.memory_space<vmem>>) target(%dma_start3A_92 : memref<80x128xf32, #tpu.memory_space<vmem_shared>>) target_semaphore(%run_scoped3A_88 : memref<!tpu.dma_semaphore, #tpu.memory_space<semaphore_mem>>)
      %dma_wait3A_93 = arith.constant 0 : i32
      %dma_wait3A_94 = tpu.memref_slice %arg7[%add3A_61, %dma_wait3A_93] : memref<10240x128xf32, #tpu.memory_space<vmem_shared>> -> memref<80x128xf32, #tpu.memory_space<vmem_shared>>
      %dma_wait3A_95 = arith.constant 0 : i32
      %dma_wait3A_96 = tpu.memref_slice %arg7[%add3A_61, %dma_wait3A_95] : memref<10240x128xf32, #tpu.memory_space<vmem_shared>> -> memref<80x128xf32, #tpu.memory_space<vmem_shared>>
      tpu.wait_dma2 semaphore(%run_scoped3A_88 : memref<!tpu.dma_semaphore, #tpu.memory_space<semaphore_mem>>) src(%arg13 : memref<80x128xf32, #tpu.memory_space<vmem>>) dst(%dma_wait3A_96 : memref<80x128xf32, #tpu.memory_space<vmem_shared>>)
      tpu.yield
    }) : () -> ()
    %mul3A_62 = arith.constant 640 : i32
    %mul3A_63 = arith.muli %arg1, %mul3A_62 : i32
    %add3A_64 = arith.constant 560 : i32
    %add3A_65 = arith.addi %mul3A_63, %add3A_64 : i32
    "tpu.region"() ({
      %run_scoped3A_88 = tpu.sem_alloc : memref<!tpu.dma_semaphore, #tpu.memory_space<semaphore_mem>>
      %dma_start3A_89 = arith.constant 0 : i32
      %dma_start3A_90 = tpu.memref_slice %arg7[%add3A_65, %dma_start3A_89] : memref<10240x128xf32, #tpu.memory_space<vmem_shared>> -> memref<80x128xf32, #tpu.memory_space<vmem_shared>>
      %dma_start3A_91 = arith.constant 0 : i32
      %dma_start3A_92 = tpu.memref_slice %arg7[%add3A_65, %dma_start3A_91] : memref<10240x128xf32, #tpu.memory_space<vmem_shared>> -> memref<80x128xf32, #tpu.memory_space<vmem_shared>>
      tpu.enqueue_dma source(%arg13 : memref<80x128xf32, #tpu.memory_space<vmem>>) target(%dma_start3A_92 : memref<80x128xf32, #tpu.memory_space<vmem_shared>>) target_semaphore(%run_scoped3A_88 : memref<!tpu.dma_semaphore, #tpu.memory_space<semaphore_mem>>)
      %dma_wait3A_93 = arith.constant 0 : i32
      %dma_wait3A_94 = tpu.memref_slice %arg7[%add3A_65, %dma_wait3A_93] : memref<10240x128xf32, #tpu.memory_space<vmem_shared>> -> memref<80x128xf32, #tpu.memory_space<vmem_shared>>
      %dma_wait3A_95 = arith.constant 0 : i32
      %dma_wait3A_96 = tpu.memref_slice %arg7[%add3A_65, %dma_wait3A_95] : memref<10240x128xf32, #tpu.memory_space<vmem_shared>> -> memref<80x128xf32, #tpu.memory_space<vmem_shared>>
      tpu.wait_dma2 semaphore(%run_scoped3A_88 : memref<!tpu.dma_semaphore, #tpu.memory_space<semaphore_mem>>) src(%arg13 : memref<80x128xf32, #tpu.memory_space<vmem>>) dst(%dma_wait3A_96 : memref<80x128xf32, #tpu.memory_space<vmem_shared>>)
      tpu.yield
    }) : () -> ()
    %mul3A_66 = arith.constant 640 : i32
    %mul3A_67 = arith.muli %arg1, %mul3A_66 : i32
    "tpu.region"() ({
      %run_scoped3A_88 = tpu.sem_alloc : memref<!tpu.dma_semaphore, #tpu.memory_space<semaphore_mem>>
      %dma_start3A_89 = tpu.memref_slice %arg8[%mul3A_67] : memref<10240xf32, #tpu.memory_space<vmem_shared>> -> memref<640xf32, #tpu.memory_space<vmem_shared>>
      %dma_start3A_90 = tpu.memref_slice %arg8[%mul3A_67] : memref<10240xf32, #tpu.memory_space<vmem_shared>> -> memref<640xf32, #tpu.memory_space<vmem_shared>>
      tpu.enqueue_dma source(%arg16 : memref<640xf32, #tpu.memory_space<vmem>>) target(%dma_start3A_90 : memref<640xf32, #tpu.memory_space<vmem_shared>>) target_semaphore(%run_scoped3A_88 : memref<!tpu.dma_semaphore, #tpu.memory_space<semaphore_mem>>)
      %dma_wait3A_91 = tpu.memref_slice %arg8[%mul3A_67] : memref<10240xf32, #tpu.memory_space<vmem_shared>> -> memref<640xf32, #tpu.memory_space<vmem_shared>>
      %dma_wait3A_92 = tpu.memref_slice %arg8[%mul3A_67] : memref<10240xf32, #tpu.memory_space<vmem_shared>> -> memref<640xf32, #tpu.memory_space<vmem_shared>>
      tpu.wait_dma2 semaphore(%run_scoped3A_88 : memref<!tpu.dma_semaphore, #tpu.memory_space<semaphore_mem>>) src(%arg16 : memref<640xf32, #tpu.memory_space<vmem>>) dst(%dma_wait3A_92 : memref<640xf32, #tpu.memory_space<vmem_shared>>)
      tpu.yield
    }) : () -> ()
    %barrier3A = arith.constant 0 : index
    tpu.barrier barrier_id(%barrier3A)
    %run_scoped3A = arith.constant 0 : i32
    "tpu.region"() ({
      %run_scoped3A_88 = tpu.sem_alloc : memref<!tpu.dma_semaphore, #tpu.memory_space<semaphore_mem>>
      %dma_start3A_89 = arith.constant 0 : i32
      %dma_start3A_90 = tpu.memref_slice %arg3[%add3A, %run_scoped3A, %dma_start3A_89] : memref<32x125x80xi32, #tpu.memory_space<hbm>> -> memref<1x1x80xi32, #tpu.memory_space<hbm>>
      %dma_start3A_91 = tpu.memref_squeeze %dma_start3A_90 : memref<1x1x80xi32, #tpu.memory_space<hbm>> -> memref<80xi32, #tpu.memory_space<hbm>>
      %dma_start3A_92 = arith.constant 0 : i32
      %dma_start3A_93 = tpu.memref_slice %arg3[%add3A, %run_scoped3A, %dma_start3A_92] : memref<32x125x80xi32, #tpu.memory_space<hbm>> -> memref<1x1x80xi32, #tpu.memory_space<hbm>>
      %dma_start3A_94 = tpu.memref_squeeze %dma_start3A_93 : memref<1x1x80xi32, #tpu.memory_space<hbm>> -> memref<80xi32, #tpu.memory_space<hbm>>
      tpu.enqueue_dma source(%dma_start3A_94 : memref<80xi32, #tpu.memory_space<hbm>>) target(%arg9 : memref<80xi32, #tpu.memory_space<vmem>>) target_semaphore(%run_scoped3A_88 : memref<!tpu.dma_semaphore, #tpu.memory_space<semaphore_mem>>)
      %dma_wait3A_95 = arith.constant 0 : i32
      %dma_wait3A_96 = tpu.memref_slice %arg3[%add3A, %run_scoped3A, %dma_wait3A_95] : memref<32x125x80xi32, #tpu.memory_space<hbm>> -> memref<1x1x80xi32, #tpu.memory_space<hbm>>
      %dma_wait3A_97 = tpu.memref_squeeze %dma_wait3A_96 : memref<1x1x80xi32, #tpu.memory_space<hbm>> -> memref<80xi32, #tpu.memory_space<hbm>>
      %dma_wait3A_98 = arith.constant 0 : i32
      %dma_wait3A_99 = tpu.memref_slice %arg3[%add3A, %run_scoped3A, %dma_wait3A_98] : memref<32x125x80xi32, #tpu.memory_space<hbm>> -> memref<1x1x80xi32, #tpu.memory_space<hbm>>
      %dma_wait3A_100 = tpu.memref_squeeze %dma_wait3A_99 : memref<1x1x80xi32, #tpu.memory_space<hbm>> -> memref<80xi32, #tpu.memory_space<hbm>>
      tpu.wait_dma2 semaphore(%run_scoped3A_88 : memref<!tpu.dma_semaphore, #tpu.memory_space<semaphore_mem>>) src(%dma_wait3A_100 : memref<80xi32, #tpu.memory_space<hbm>>) dst(%arg9 : memref<80xi32, #tpu.memory_space<vmem>>)
      tpu.yield
    }) : () -> ()
    %run_scoped3A_68 = arith.constant 0 : i32
    "tpu.region"() ({
      %run_scoped3A_88 = tpu.sem_alloc : memref<!tpu.dma_semaphore, #tpu.memory_space<semaphore_mem>>
      %dma_start3A_89 = arith.constant 0 : i32
      %dma_start3A_90 = tpu.memref_slice %arg4[%add3A, %run_scoped3A_68, %dma_start3A_89] : memref<32x125x80xi32, #tpu.memory_space<hbm>> -> memref<1x1x80xi32, #tpu.memory_space<hbm>>
      %dma_start3A_91 = tpu.memref_squeeze %dma_start3A_90 : memref<1x1x80xi32, #tpu.memory_space<hbm>> -> memref<80xi32, #tpu.memory_space<hbm>>
      %dma_start3A_92 = arith.constant 0 : i32
      %dma_start3A_93 = tpu.memref_slice %arg4[%add3A, %run_scoped3A_68, %dma_start3A_92] : memref<32x125x80xi32, #tpu.memory_space<hbm>> -> memref<1x1x80xi32, #tpu.memory_space<hbm>>
      %dma_start3A_94 = tpu.memref_squeeze %dma_start3A_93 : memref<1x1x80xi32, #tpu.memory_space<hbm>> -> memref<80xi32, #tpu.memory_space<hbm>>
      tpu.enqueue_dma source(%dma_start3A_94 : memref<80xi32, #tpu.memory_space<hbm>>) target(%arg10 : memref<80xi32, #tpu.memory_space<vmem>>) target_semaphore(%run_scoped3A_88 : memref<!tpu.dma_semaphore, #tpu.memory_space<semaphore_mem>>)
      %dma_wait3A_95 = arith.constant 0 : i32
      %dma_wait3A_96 = tpu.memref_slice %arg4[%add3A, %run_scoped3A_68, %dma_wait3A_95] : memref<32x125x80xi32, #tpu.memory_space<hbm>> -> memref<1x1x80xi32, #tpu.memory_space<hbm>>
      %dma_wait3A_97 = tpu.memref_squeeze %dma_wait3A_96 : memref<1x1x80xi32, #tpu.memory_space<hbm>> -> memref<80xi32, #tpu.memory_space<hbm>>
      %dma_wait3A_98 = arith.constant 0 : i32
      %dma_wait3A_99 = tpu.memref_slice %arg4[%add3A, %run_scoped3A_68, %dma_wait3A_98] : memref<32x125x80xi32, #tpu.memory_space<hbm>> -> memref<1x1x80xi32, #tpu.memory_space<hbm>>
      %dma_wait3A_100 = tpu.memref_squeeze %dma_wait3A_99 : memref<1x1x80xi32, #tpu.memory_space<hbm>> -> memref<80xi32, #tpu.memory_space<hbm>>
      tpu.wait_dma2 semaphore(%run_scoped3A_88 : memref<!tpu.dma_semaphore, #tpu.memory_space<semaphore_mem>>) src(%dma_wait3A_100 : memref<80xi32, #tpu.memory_space<hbm>>) dst(%arg10 : memref<80xi32, #tpu.memory_space<vmem>>)
      tpu.yield
    }) : () -> ()
    %dma_start3A = arith.constant 0 : i32
    %dma_start3A_69 = arith.constant 0 : i32
    %dma_start3A_70 = tpu.memref_slice %arg2[%dma_start3A, %dma_start3A_69] : memref<10000x128xf32, #tpu.memory_space<hbm>> -> memref<10000x128xf32, #tpu.memory_space<hbm>>
    tpu.enqueue_indirect_dma source(%dma_start3A_70 : memref<10000x128xf32, #tpu.memory_space<hbm>>) target(%arg13 : memref<80x128xf32, #tpu.memory_space<vmem>>) offsets(%arg9 : memref<80xi32, #tpu.memory_space<vmem>>) semaphore(%arg17 : memref<!tpu.dma_semaphore, #tpu.memory_space<semaphore_mem>>)
    %scan3A_71 = arith.constant 0 : i32
    %scan3A_72 = arith.constant 0 : i32
    %scan3A_73 = arith.constant 62 : i32
    %scan3A_74 = arith.addi %scan3A_72, %scan3A_73 : i32
    %scan3A_75 = arith.constant 1 : i32
    scf.for %scan3A_88 = %scan3A_72 to %scan3A_74 step %scan3A_75  : i32 {
      %mul3A_89 = arith.constant 2 : i32
      %mul3A_90 = arith.muli %mul3A_89, %scan3A_88 : i32
      %add3A_91 = arith.constant 1 : i32
      %add3A_92 = arith.addi %mul3A_90, %add3A_91 : i32
      "tpu.region"() ({
        %run_scoped3A_107 = tpu.sem_alloc : memref<!tpu.dma_semaphore, #tpu.memory_space<semaphore_mem>>
        %dma_start3A_108 = arith.constant 0 : i32
        %dma_start3A_109 = tpu.memref_slice %arg3[%add3A, %add3A_92, %dma_start3A_108] : memref<32x125x80xi32, #tpu.memory_space<hbm>> -> memref<1x1x80xi32, #tpu.memory_space<hbm>>
        %dma_start3A_110 = tpu.memref_squeeze %dma_start3A_109 : memref<1x1x80xi32, #tpu.memory_space<hbm>> -> memref<80xi32, #tpu.memory_space<hbm>>
        %dma_start3A_111 = arith.constant 0 : i32
        %dma_start3A_112 = tpu.memref_slice %arg3[%add3A, %add3A_92, %dma_start3A_111] : memref<32x125x80xi32, #tpu.memory_space<hbm>> -> memref<1x1x80xi32, #tpu.memory_space<hbm>>
        %dma_start3A_113 = tpu.memref_squeeze %dma_start3A_112 : memref<1x1x80xi32, #tpu.memory_space<hbm>> -> memref<80xi32, #tpu.memory_space<hbm>>
        tpu.enqueue_dma source(%dma_start3A_113 : memref<80xi32, #tpu.memory_space<hbm>>) target(%arg11 : memref<80xi32, #tpu.memory_space<vmem>>) target_semaphore(%run_scoped3A_107 : memref<!tpu.dma_semaphore, #tpu.memory_space<semaphore_mem>>)
        %dma_wait3A_114 = arith.constant 0 : i32
        %dma_wait3A_115 = tpu.memref_slice %arg3[%add3A, %add3A_92, %dma_wait3A_114] : memref<32x125x80xi32, #tpu.memory_space<hbm>> -> memref<1x1x80xi32, #tpu.memory_space<hbm>>
        %dma_wait3A_116 = tpu.memref_squeeze %dma_wait3A_115 : memref<1x1x80xi32, #tpu.memory_space<hbm>> -> memref<80xi32, #tpu.memory_space<hbm>>
        %dma_wait3A_117 = arith.constant 0 : i32
        %dma_wait3A_118 = tpu.memref_slice %arg3[%add3A, %add3A_92, %dma_wait3A_117] : memref<32x125x80xi32, #tpu.memory_space<hbm>> -> memref<1x1x80xi32, #tpu.memory_space<hbm>>
        %dma_wait3A_119 = tpu.memref_squeeze %dma_wait3A_118 : memref<1x1x80xi32, #tpu.memory_space<hbm>> -> memref<80xi32, #tpu.memory_space<hbm>>
        tpu.wait_dma2 semaphore(%run_scoped3A_107 : memref<!tpu.dma_semaphore, #tpu.memory_space<semaphore_mem>>) src(%dma_wait3A_119 : memref<80xi32, #tpu.memory_space<hbm>>) dst(%arg11 : memref<80xi32, #tpu.memory_space<vmem>>)
        tpu.yield
      }) : () -> ()
      "tpu.region"() ({
        %run_scoped3A_107 = tpu.sem_alloc : memref<!tpu.dma_semaphore, #tpu.memory_space<semaphore_mem>>
        %dma_start3A_108 = arith.constant 0 : i32
        %dma_start3A_109 = tpu.memref_slice %arg4[%add3A, %add3A_92, %dma_start3A_108] : memref<32x125x80xi32, #tpu.memory_space<hbm>> -> memref<1x1x80xi32, #tpu.memory_space<hbm>>
        %dma_start3A_110 = tpu.memref_squeeze %dma_start3A_109 : memref<1x1x80xi32, #tpu.memory_space<hbm>> -> memref<80xi32, #tpu.memory_space<hbm>>
        %dma_start3A_111 = arith.constant 0 : i32
        %dma_start3A_112 = tpu.memref_slice %arg4[%add3A, %add3A_92, %dma_start3A_111] : memref<32x125x80xi32, #tpu.memory_space<hbm>> -> memref<1x1x80xi32, #tpu.memory_space<hbm>>
        %dma_start3A_113 = tpu.memref_squeeze %dma_start3A_112 : memref<1x1x80xi32, #tpu.memory_space<hbm>> -> memref<80xi32, #tpu.memory_space<hbm>>
        tpu.enqueue_dma source(%dma_start3A_113 : memref<80xi32, #tpu.memory_space<hbm>>) target(%arg12 : memref<80xi32, #tpu.memory_space<vmem>>) target_semaphore(%run_scoped3A_107 : memref<!tpu.dma_semaphore, #tpu.memory_space<semaphore_mem>>)
        %dma_wait3A_114 = arith.constant 0 : i32
        %dma_wait3A_115 = tpu.memref_slice %arg4[%add3A, %add3A_92, %dma_wait3A_114] : memref<32x125x80xi32, #tpu.memory_space<hbm>> -> memref<1x1x80xi32, #tpu.memory_space<hbm>>
        %dma_wait3A_116 = tpu.memref_squeeze %dma_wait3A_115 : memref<1x1x80xi32, #tpu.memory_space<hbm>> -> memref<80xi32, #tpu.memory_space<hbm>>
        %dma_wait3A_117 = arith.constant 0 : i32
        %dma_wait3A_118 = tpu.memref_slice %arg4[%add3A, %add3A_92, %dma_wait3A_117] : memref<32x125x80xi32, #tpu.memory_space<hbm>> -> memref<1x1x80xi32, #tpu.memory_space<hbm>>
        %dma_wait3A_119 = tpu.memref_squeeze %dma_wait3A_118 : memref<1x1x80xi32, #tpu.memory_space<hbm>> -> memref<80xi32, #tpu.memory_space<hbm>>
        tpu.wait_dma2 semaphore(%run_scoped3A_107 : memref<!tpu.dma_semaphore, #tpu.memory_space<semaphore_mem>>) src(%dma_wait3A_119 : memref<80xi32, #tpu.memory_space<hbm>>) dst(%arg12 : memref<80xi32, #tpu.memory_space<vmem>>)
        tpu.yield
      }) : () -> ()
      %dma_start3A_93 = arith.constant 0 : i32
      %dma_start3A_94 = arith.constant 0 : i32
      %dma_start3A_95 = tpu.memref_slice %arg2[%dma_start3A_93, %dma_start3A_94] : memref<10000x128xf32, #tpu.memory_space<hbm>> -> memref<10000x128xf32, #tpu.memory_space<hbm>>
      tpu.enqueue_indirect_dma source(%dma_start3A_95 : memref<10000x128xf32, #tpu.memory_space<hbm>>) target(%arg14 : memref<80x128xf32, #tpu.memory_space<vmem>>) offsets(%arg11 : memref<80xi32, #tpu.memory_space<vmem>>) semaphore(%arg18 : memref<!tpu.dma_semaphore, #tpu.memory_space<semaphore_mem>>)
      %dma_wait3A_96 = arith.constant 0 : i32
      %dma_wait3A_97 = arith.constant 0 : i32
      %dma_wait3A_98 = tpu.memref_slice %arg2[%dma_wait3A_96, %dma_wait3A_97] : memref<10000x128xf32, #tpu.memory_space<hbm>> -> memref<10000x128xf32, #tpu.memory_space<hbm>>
      tpu.wait_indirect_dma semaphore(%arg17 : memref<!tpu.dma_semaphore, #tpu.memory_space<semaphore_mem>>) src(%dma_wait3A_98 : memref<10000x128xf32, #tpu.memory_space<hbm>>) dst(%arg13 : memref<80x128xf32, #tpu.memory_space<vmem>>)
      "tpu.region"() ({
        %run_scoped3A_107 = tpu.sem_alloc : memref<!tpu.dma_semaphore, #tpu.memory_space<semaphore_mem>>
        %dma_start3A_108 = arith.constant 0 : i32
        %dma_start3A_109 = arith.constant 0 : i32
        %dma_start3A_110 = tpu.memref_slice %arg7[%dma_start3A_108, %dma_start3A_109] : memref<10240x128xf32, #tpu.memory_space<vmem_shared>> -> memref<10240x128xf32, #tpu.memory_space<vmem_shared>>
        tpu.enqueue_indirect_dma source(%arg13 : memref<80x128xf32, #tpu.memory_space<vmem>>) target(%dma_start3A_110 : memref<10240x128xf32, #tpu.memory_space<vmem_shared>>) offsets(%arg10 : memref<80xi32, #tpu.memory_space<vmem>>) semaphore(%run_scoped3A_107 : memref<!tpu.dma_semaphore, #tpu.memory_space<semaphore_mem>>) {add = true}
        %dma_wait3A_111 = arith.constant 0 : i32
        %dma_wait3A_112 = arith.constant 0 : i32
        %dma_wait3A_113 = tpu.memref_slice %arg7[%dma_wait3A_111, %dma_wait3A_112] : memref<10240x128xf32, #tpu.memory_space<vmem_shared>> -> memref<10240x128xf32, #tpu.memory_space<vmem_shared>>
        tpu.wait_indirect_dma semaphore(%run_scoped3A_107 : memref<!tpu.dma_semaphore, #tpu.memory_space<semaphore_mem>>) src(%arg13 : memref<80x128xf32, #tpu.memory_space<vmem>>) dst(%dma_wait3A_113 : memref<10240x128xf32, #tpu.memory_space<vmem_shared>>)
        tpu.yield
      }) : () -> ()
      "tpu.region"() ({
        %run_scoped3A_107 = tpu.sem_alloc : memref<!tpu.dma_semaphore, #tpu.memory_space<semaphore_mem>>
        %dma_start3A_108 = arith.constant 0 : i32
        %dma_start3A_109 = tpu.memref_slice %arg8[%dma_start3A_108] : memref<10240xf32, #tpu.memory_space<vmem_shared>> -> memref<10240xf32, #tpu.memory_space<vmem_shared>>
        tpu.enqueue_indirect_dma source(%arg15 : memref<80xf32, #tpu.memory_space<vmem>>) target(%dma_start3A_109 : memref<10240xf32, #tpu.memory_space<vmem_shared>>) offsets(%arg10 : memref<80xi32, #tpu.memory_space<vmem>>) semaphore(%run_scoped3A_107 : memref<!tpu.dma_semaphore, #tpu.memory_space<semaphore_mem>>) {add = true}
        %dma_wait3A_110 = arith.constant 0 : i32
        %dma_wait3A_111 = tpu.memref_slice %arg8[%dma_wait3A_110] : memref<10240xf32, #tpu.memory_space<vmem_shared>> -> memref<10240xf32, #tpu.memory_space<vmem_shared>>
        tpu.wait_indirect_dma semaphore(%run_scoped3A_107 : memref<!tpu.dma_semaphore, #tpu.memory_space<semaphore_mem>>) src(%arg15 : memref<80xf32, #tpu.memory_space<vmem>>) dst(%dma_wait3A_111 : memref<10240xf32, #tpu.memory_space<vmem_shared>>)
        tpu.yield
      }) : () -> ()
      %add3A_99 = arith.constant 2 : i32
      %add3A_100 = arith.addi %mul3A_90, %add3A_99 : i32
      "tpu.region"() ({
        %run_scoped3A_107 = tpu.sem_alloc : memref<!tpu.dma_semaphore, #tpu.memory_space<semaphore_mem>>
        %dma_start3A_108 = arith.constant 0 : i32
        %dma_start3A_109 = tpu.memref_slice %arg3[%add3A, %add3A_100, %dma_start3A_108] : memref<32x125x80xi32, #tpu.memory_space<hbm>> -> memref<1x1x80xi32, #tpu.memory_space<hbm>>
        %dma_start3A_110 = tpu.memref_squeeze %dma_start3A_109 : memref<1x1x80xi32, #tpu.memory_space<hbm>> -> memref<80xi32, #tpu.memory_space<hbm>>
        %dma_start3A_111 = arith.constant 0 : i32
        %dma_start3A_112 = tpu.memref_slice %arg3[%add3A, %add3A_100, %dma_start3A_111] : memref<32x125x80xi32, #tpu.memory_space<hbm>> -> memref<1x1x80xi32, #tpu.memory_space<hbm>>
        %dma_start3A_113 = tpu.memref_squeeze %dma_start3A_112 : memref<1x1x80xi32, #tpu.memory_space<hbm>> -> memref<80xi32, #tpu.memory_space<hbm>>
        tpu.enqueue_dma source(%dma_start3A_113 : memref<80xi32, #tpu.memory_space<hbm>>) target(%arg9 : memref<80xi32, #tpu.memory_space<vmem>>) target_semaphore(%run_scoped3A_107 : memref<!tpu.dma_semaphore, #tpu.memory_space<semaphore_mem>>)
        %dma_wait3A_114 = arith.constant 0 : i32
        %dma_wait3A_115 = tpu.memref_slice %arg3[%add3A, %add3A_100, %dma_wait3A_114] : memref<32x125x80xi32, #tpu.memory_space<hbm>> -> memref<1x1x80xi32, #tpu.memory_space<hbm>>
        %dma_wait3A_116 = tpu.memref_squeeze %dma_wait3A_115 : memref<1x1x80xi32, #tpu.memory_space<hbm>> -> memref<80xi32, #tpu.memory_space<hbm>>
        %dma_wait3A_117 = arith.constant 0 : i32
        %dma_wait3A_118 = tpu.memref_slice %arg3[%add3A, %add3A_100, %dma_wait3A_117] : memref<32x125x80xi32, #tpu.memory_space<hbm>> -> memref<1x1x80xi32, #tpu.memory_space<hbm>>
        %dma_wait3A_119 = tpu.memref_squeeze %dma_wait3A_118 : memref<1x1x80xi32, #tpu.memory_space<hbm>> -> memref<80xi32, #tpu.memory_space<hbm>>
        tpu.wait_dma2 semaphore(%run_scoped3A_107 : memref<!tpu.dma_semaphore, #tpu.memory_space<semaphore_mem>>) src(%dma_wait3A_119 : memref<80xi32, #tpu.memory_space<hbm>>) dst(%arg9 : memref<80xi32, #tpu.memory_space<vmem>>)
        tpu.yield
      }) : () -> ()
      "tpu.region"() ({
        %run_scoped3A_107 = tpu.sem_alloc : memref<!tpu.dma_semaphore, #tpu.memory_space<semaphore_mem>>
        %dma_start3A_108 = arith.constant 0 : i32
        %dma_start3A_109 = tpu.memref_slice %arg4[%add3A, %add3A_100, %dma_start3A_108] : memref<32x125x80xi32, #tpu.memory_space<hbm>> -> memref<1x1x80xi32, #tpu.memory_space<hbm>>
        %dma_start3A_110 = tpu.memref_squeeze %dma_start3A_109 : memref<1x1x80xi32, #tpu.memory_space<hbm>> -> memref<80xi32, #tpu.memory_space<hbm>>
        %dma_start3A_111 = arith.constant 0 : i32
        %dma_start3A_112 = tpu.memref_slice %arg4[%add3A, %add3A_100, %dma_start3A_111] : memref<32x125x80xi32, #tpu.memory_space<hbm>> -> memref<1x1x80xi32, #tpu.memory_space<hbm>>
        %dma_start3A_113 = tpu.memref_squeeze %dma_start3A_112 : memref<1x1x80xi32, #tpu.memory_space<hbm>> -> memref<80xi32, #tpu.memory_space<hbm>>
        tpu.enqueue_dma source(%dma_start3A_113 : memref<80xi32, #tpu.memory_space<hbm>>) target(%arg10 : memref<80xi32, #tpu.memory_space<vmem>>) target_semaphore(%run_scoped3A_107 : memref<!tpu.dma_semaphore, #tpu.memory_space<semaphore_mem>>)
        %dma_wait3A_114 = arith.constant 0 : i32
        %dma_wait3A_115 = tpu.memref_slice %arg4[%add3A, %add3A_100, %dma_wait3A_114] : memref<32x125x80xi32, #tpu.memory_space<hbm>> -> memref<1x1x80xi32, #tpu.memory_space<hbm>>
        %dma_wait3A_116 = tpu.memref_squeeze %dma_wait3A_115 : memref<1x1x80xi32, #tpu.memory_space<hbm>> -> memref<80xi32, #tpu.memory_space<hbm>>
        %dma_wait3A_117 = arith.constant 0 : i32
        %dma_wait3A_118 = tpu.memref_slice %arg4[%add3A, %add3A_100, %dma_wait3A_117] : memref<32x125x80xi32, #tpu.memory_space<hbm>> -> memref<1x1x80xi32, #tpu.memory_space<hbm>>
        %dma_wait3A_119 = tpu.memref_squeeze %dma_wait3A_118 : memref<1x1x80xi32, #tpu.memory_space<hbm>> -> memref<80xi32, #tpu.memory_space<hbm>>
        tpu.wait_dma2 semaphore(%run_scoped3A_107 : memref<!tpu.dma_semaphore, #tpu.memory_space<semaphore_mem>>) src(%dma_wait3A_119 : memref<80xi32, #tpu.memory_space<hbm>>) dst(%arg10 : memref<80xi32, #tpu.memory_space<vmem>>)
        tpu.yield
      }) : () -> ()
      %dma_start3A_101 = arith.constant 0 : i32
      %dma_start3A_102 = arith.constant 0 : i32
      %dma_start3A_103 = tpu.memref_slice %arg2[%dma_start3A_101, %dma_start3A_102] : memref<10000x128xf32, #tpu.memory_space<hbm>> -> memref<10000x128xf32, #tpu.memory_space<hbm>>
      tpu.enqueue_indirect_dma source(%dma_start3A_103 : memref<10000x128xf32, #tpu.memory_space<hbm>>) target(%arg13 : memref<80x128xf32, #tpu.memory_space<vmem>>) offsets(%arg9 : memref<80xi32, #tpu.memory_space<vmem>>) semaphore(%arg17 : memref<!tpu.dma_semaphore, #tpu.memory_space<semaphore_mem>>)
      %dma_wait3A_104 = arith.constant 0 : i32
      %dma_wait3A_105 = arith.constant 0 : i32
      %dma_wait3A_106 = tpu.memref_slice %arg2[%dma_wait3A_104, %dma_wait3A_105] : memref<10000x128xf32, #tpu.memory_space<hbm>> -> memref<10000x128xf32, #tpu.memory_space<hbm>>
      tpu.wait_indirect_dma semaphore(%arg18 : memref<!tpu.dma_semaphore, #tpu.memory_space<semaphore_mem>>) src(%dma_wait3A_106 : memref<10000x128xf32, #tpu.memory_space<hbm>>) dst(%arg14 : memref<80x128xf32, #tpu.memory_space<vmem>>)
      "tpu.region"() ({
        %run_scoped3A_107 = tpu.sem_alloc : memref<!tpu.dma_semaphore, #tpu.memory_space<semaphore_mem>>
        %dma_start3A_108 = arith.constant 0 : i32
        %dma_start3A_109 = arith.constant 0 : i32
        %dma_start3A_110 = tpu.memref_slice %arg7[%dma_start3A_108, %dma_start3A_109] : memref<10240x128xf32, #tpu.memory_space<vmem_shared>> -> memref<10240x128xf32, #tpu.memory_space<vmem_shared>>
        tpu.enqueue_indirect_dma source(%arg14 : memref<80x128xf32, #tpu.memory_space<vmem>>) target(%dma_start3A_110 : memref<10240x128xf32, #tpu.memory_space<vmem_shared>>) offsets(%arg12 : memref<80xi32, #tpu.memory_space<vmem>>) semaphore(%run_scoped3A_107 : memref<!tpu.dma_semaphore, #tpu.memory_space<semaphore_mem>>) {add = true}
        %dma_wait3A_111 = arith.constant 0 : i32
        %dma_wait3A_112 = arith.constant 0 : i32
        %dma_wait3A_113 = tpu.memref_slice %arg7[%dma_wait3A_111, %dma_wait3A_112] : memref<10240x128xf32, #tpu.memory_space<vmem_shared>> -> memref<10240x128xf32, #tpu.memory_space<vmem_shared>>
        tpu.wait_indirect_dma semaphore(%run_scoped3A_107 : memref<!tpu.dma_semaphore, #tpu.memory_space<semaphore_mem>>) src(%arg14 : memref<80x128xf32, #tpu.memory_space<vmem>>) dst(%dma_wait3A_113 : memref<10240x128xf32, #tpu.memory_space<vmem_shared>>)
        tpu.yield
      }) : () -> ()
      "tpu.region"() ({
        %run_scoped3A_107 = tpu.sem_alloc : memref<!tpu.dma_semaphore, #tpu.memory_space<semaphore_mem>>
        %dma_start3A_108 = arith.constant 0 : i32
        %dma_start3A_109 = tpu.memref_slice %arg8[%dma_start3A_108] : memref<10240xf32, #tpu.memory_space<vmem_shared>> -> memref<10240xf32, #tpu.memory_space<vmem_shared>>
        tpu.enqueue_indirect_dma source(%arg15 : memref<80xf32, #tpu.memory_space<vmem>>) target(%dma_start3A_109 : memref<10240xf32, #tpu.memory_space<vmem_shared>>) offsets(%arg12 : memref<80xi32, #tpu.memory_space<vmem>>) semaphore(%run_scoped3A_107 : memref<!tpu.dma_semaphore, #tpu.memory_space<semaphore_mem>>) {add = true}
        %dma_wait3A_110 = arith.constant 0 : i32
        %dma_wait3A_111 = tpu.memref_slice %arg8[%dma_wait3A_110] : memref<10240xf32, #tpu.memory_space<vmem_shared>> -> memref<10240xf32, #tpu.memory_space<vmem_shared>>
        tpu.wait_indirect_dma semaphore(%run_scoped3A_107 : memref<!tpu.dma_semaphore, #tpu.memory_space<semaphore_mem>>) src(%arg15 : memref<80xf32, #tpu.memory_space<vmem>>) dst(%dma_wait3A_111 : memref<10240xf32, #tpu.memory_space<vmem_shared>>)
        tpu.yield
      }) : () -> ()
    }
    %scan3A_76 = arith.constant 62 : i32
    %dma_wait3A = arith.constant 0 : i32
    %dma_wait3A_77 = arith.constant 0 : i32
    %dma_wait3A_78 = tpu.memref_slice %arg2[%dma_wait3A, %dma_wait3A_77] : memref<10000x128xf32, #tpu.memory_space<hbm>> -> memref<10000x128xf32, #tpu.memory_space<hbm>>
    tpu.wait_indirect_dma semaphore(%arg17 : memref<!tpu.dma_semaphore, #tpu.memory_space<semaphore_mem>>) src(%dma_wait3A_78 : memref<10000x128xf32, #tpu.memory_space<hbm>>) dst(%arg13 : memref<80x128xf32, #tpu.memory_space<vmem>>)
    "tpu.region"() ({
      %run_scoped3A_88 = tpu.sem_alloc : memref<!tpu.dma_semaphore, #tpu.memory_space<semaphore_mem>>
      %dma_start3A_89 = arith.constant 0 : i32
      %dma_start3A_90 = arith.constant 0 : i32
      %dma_start3A_91 = tpu.memref_slice %arg7[%dma_start3A_89, %dma_start3A_90] : memref<10240x128xf32, #tpu.memory_space<vmem_shared>> -> memref<10240x128xf32, #tpu.memory_space<vmem_shared>>
      tpu.enqueue_indirect_dma source(%arg13 : memref<80x128xf32, #tpu.memory_space<vmem>>) target(%dma_start3A_91 : memref<10240x128xf32, #tpu.memory_space<vmem_shared>>) offsets(%arg10 : memref<80xi32, #tpu.memory_space<vmem>>) semaphore(%run_scoped3A_88 : memref<!tpu.dma_semaphore, #tpu.memory_space<semaphore_mem>>) {add = true}
      %dma_wait3A_92 = arith.constant 0 : i32
      %dma_wait3A_93 = arith.constant 0 : i32
      %dma_wait3A_94 = tpu.memref_slice %arg7[%dma_wait3A_92, %dma_wait3A_93] : memref<10240x128xf32, #tpu.memory_space<vmem_shared>> -> memref<10240x128xf32, #tpu.memory_space<vmem_shared>>
      tpu.wait_indirect_dma semaphore(%run_scoped3A_88 : memref<!tpu.dma_semaphore, #tpu.memory_space<semaphore_mem>>) src(%arg13 : memref<80x128xf32, #tpu.memory_space<vmem>>) dst(%dma_wait3A_94 : memref<10240x128xf32, #tpu.memory_space<vmem_shared>>)
      tpu.yield
    }) : () -> ()
    "tpu.region"() ({
      %run_scoped3A_88 = tpu.sem_alloc : memref<!tpu.dma_semaphore, #tpu.memory_space<semaphore_mem>>
      %dma_start3A_89 = arith.constant 0 : i32
      %dma_start3A_90 = tpu.memref_slice %arg8[%dma_start3A_89] : memref<10240xf32, #tpu.memory_space<vmem_shared>> -> memref<10240xf32, #tpu.memory_space<vmem_shared>>
      tpu.enqueue_indirect_dma source(%arg15 : memref<80xf32, #tpu.memory_space<vmem>>) target(%dma_start3A_90 : memref<10240xf32, #tpu.memory_space<vmem_shared>>) offsets(%arg10 : memref<80xi32, #tpu.memory_space<vmem>>) semaphore(%run_scoped3A_88 : memref<!tpu.dma_semaphore, #tpu.memory_space<semaphore_mem>>) {add = true}
      %dma_wait3A_91 = arith.constant 0 : i32
      %dma_wait3A_92 = tpu.memref_slice %arg8[%dma_wait3A_91] : memref<10240xf32, #tpu.memory_space<vmem_shared>> -> memref<10240xf32, #tpu.memory_space<vmem_shared>>
      tpu.wait_indirect_dma semaphore(%run_scoped3A_88 : memref<!tpu.dma_semaphore, #tpu.memory_space<semaphore_mem>>) src(%arg15 : memref<80xf32, #tpu.memory_space<vmem>>) dst(%dma_wait3A_92 : memref<10240xf32, #tpu.memory_space<vmem_shared>>)
      tpu.yield
    }) : () -> ()
    %barrier3A_79 = arith.constant 0 : index
    tpu.barrier barrier_id(%barrier3A_79)
    %mul3A_80 = arith.constant 640 : i32
    %mul3A_81 = arith.muli %arg1, %mul3A_80 : i32
    %mul3A_82 = arith.constant 640 : i32
    %mul3A_83 = arith.muli %arg1, %mul3A_82 : i32
    "tpu.region"() ({
      %run_scoped3A_88 = tpu.sem_alloc : memref<!tpu.dma_semaphore, #tpu.memory_space<semaphore_mem>>
      %dma_start3A_89 = arith.constant 0 : i32
      %dma_start3A_90 = tpu.memref_slice %arg5[%arg0, %mul3A_83, %dma_start3A_89] : memref<2x10240x128xf32, #tpu.memory_space<hbm>> -> memref<1x640x128xf32, #tpu.memory_space<hbm>>
      %dma_start3A_91 = tpu.memref_squeeze %dma_start3A_90 : memref<1x640x128xf32, #tpu.memory_space<hbm>> -> memref<640x128xf32, #tpu.memory_space<hbm>>
      %dma_start3A_92 = arith.constant 0 : i32
      %dma_start3A_93 = tpu.memref_slice %arg7[%mul3A_81, %dma_start3A_92] : memref<10240x128xf32, #tpu.memory_space<vmem_shared>> -> memref<640x128xf32, #tpu.memory_space<vmem_shared>>
      tpu.enqueue_dma source(%dma_start3A_93 : memref<640x128xf32, #tpu.memory_space<vmem_shared>>) target(%dma_start3A_91 : memref<640x128xf32, #tpu.memory_space<hbm>>) target_semaphore(%run_scoped3A_88 : memref<!tpu.dma_semaphore, #tpu.memory_space<semaphore_mem>>)
      %dma_wait3A_94 = arith.constant 0 : i32
      %dma_wait3A_95 = tpu.memref_slice %arg5[%arg0, %mul3A_83, %dma_wait3A_94] : memref<2x10240x128xf32, #tpu.memory_space<hbm>> -> memref<1x640x128xf32, #tpu.memory_space<hbm>>
      %dma_wait3A_96 = tpu.memref_squeeze %dma_wait3A_95 : memref<1x640x128xf32, #tpu.memory_space<hbm>> -> memref<640x128xf32, #tpu.memory_space<hbm>>
      %dma_wait3A_97 = arith.constant 0 : i32
      %dma_wait3A_98 = tpu.memref_slice %arg7[%mul3A_81, %dma_wait3A_97] : memref<10240x128xf32, #tpu.memory_space<vmem_shared>> -> memref<640x128xf32, #tpu.memory_space<vmem_shared>>
      tpu.wait_dma2 semaphore(%run_scoped3A_88 : memref<!tpu.dma_semaphore, #tpu.memory_space<semaphore_mem>>) src(%dma_wait3A_98 : memref<640x128xf32, #tpu.memory_space<vmem_shared>>) dst(%dma_wait3A_96 : memref<640x128xf32, #tpu.memory_space<hbm>>)
      tpu.yield
    }) : () -> ()
    %mul3A_84 = arith.constant 640 : i32
    %mul3A_85 = arith.muli %arg1, %mul3A_84 : i32
    %mul3A_86 = arith.constant 640 : i32
    %mul3A_87 = arith.muli %arg1, %mul3A_86 : i32
    "tpu.region"() ({
      %run_scoped3A_88 = tpu.sem_alloc : memref<!tpu.dma_semaphore, #tpu.memory_space<semaphore_mem>>
      %dma_start3A_89 = tpu.memref_slice %arg6[%arg0, %mul3A_87] : memref<2x10240xf32, #tpu.memory_space<hbm>> -> memref<1x640xf32, #tpu.memory_space<hbm>>
      %dma_start3A_90 = tpu.memref_squeeze %dma_start3A_89 : memref<1x640xf32, #tpu.memory_space<hbm>> -> memref<640xf32, #tpu.memory_space<hbm>>
      %dma_start3A_91 = tpu.memref_slice %arg8[%mul3A_85] : memref<10240xf32, #tpu.memory_space<vmem_shared>> -> memref<640xf32, #tpu.memory_space<vmem_shared>>
      tpu.enqueue_dma source(%dma_start3A_91 : memref<640xf32, #tpu.memory_space<vmem_shared>>) target(%dma_start3A_90 : memref<640xf32, #tpu.memory_space<hbm>>) target_semaphore(%run_scoped3A_88 : memref<!tpu.dma_semaphore, #tpu.memory_space<semaphore_mem>>)
      %dma_wait3A_92 = tpu.memref_slice %arg6[%arg0, %mul3A_87] : memref<2x10240xf32, #tpu.memory_space<hbm>> -> memref<1x640xf32, #tpu.memory_space<hbm>>
      %dma_wait3A_93 = tpu.memref_squeeze %dma_wait3A_92 : memref<1x640xf32, #tpu.memory_space<hbm>> -> memref<640xf32, #tpu.memory_space<hbm>>
      %dma_wait3A_94 = tpu.memref_slice %arg8[%mul3A_85] : memref<10240xf32, #tpu.memory_space<vmem_shared>> -> memref<640xf32, #tpu.memory_space<vmem_shared>>
      tpu.wait_dma2 semaphore(%run_scoped3A_88 : memref<!tpu.dma_semaphore, #tpu.memory_space<semaphore_mem>>) src(%dma_wait3A_94 : memref<640xf32, #tpu.memory_space<vmem_shared>>) dst(%dma_wait3A_93 : memref<640xf32, #tpu.memory_space<hbm>>)
      tpu.yield
    }) : () -> ()
    return
  }
}

#map = affine_map<(d0, d1) -> (0, 0)>
#map1 = affine_map<(d0, d1) -> (0, 0, 0)>
module attributes {stable_mosaic.version = 14 : i64} {
  func.func @k(%arg0: i32, %arg1: i32, %arg2: memref<10000x128xf32, #tpu.memory_space<hbm>>, %arg3: memref<32x125x80xi32, #tpu.memory_space<hbm>>, %arg4: memref<32x125x80xi32, #tpu.memory_space<hbm>>, %arg5: memref<2x10240x128xf32, #tpu.memory_space<hbm>>, %arg6: memref<2x10240xf32, #tpu.memory_space<hbm>>, %arg7: memref<10240x128xf32, #tpu.memory_space<vmem_shared>>, %arg8: memref<10240xf32, #tpu.memory_space<vmem_shared>>, %arg9: memref<80xi32, #tpu.memory_space<vmem>>, %arg10: memref<80xi32, #tpu.memory_space<vmem>>, %arg11: memref<80xi32, #tpu.memory_space<vmem>>, %arg12: memref<80xi32, #tpu.memory_space<vmem>>, %arg13: memref<80x128xf32, #tpu.memory_space<vmem>>, %arg14: memref<80x128xf32, #tpu.memory_space<vmem>>, %arg15: memref<80xf32, #tpu.memory_space<vmem>>, %arg16: memref<640xf32, #tpu.memory_space<vmem>>, %arg17: memref<!tpu.dma_semaphore, #tpu.memory_space<semaphore_mem>>, %arg18: memref<!tpu.dma_semaphore, #tpu.memory_space<semaphore_mem>>) attributes {dimension_semantics = [#tpu.dimension_semantics<core_parallel>, #tpu.dimension_semantics<subcore_parallel>], iteration_bounds = array<i64: 2, 16>, scalar_prefetch = 0 : i64, scratch_operands = 12 : i64, tpu.core_type = #tpu.core_type<sc_vector_subcore>, window_params = [{transform_indices = #map}, {transform_indices = #map1}, {transform_indices = #map1}, {transform_indices = #map1}, {transform_indices = #map}]} {
    %mul3A = arith.constant 16 : i32
    %mul3A_0 = arith.muli %arg0, %mul3A : i32
    %add3A = arith.addi %mul3A_0, %arg1 : i32
    %broadcast_in_dim3A = arith.constant 1.000000e+00 : f32
    %broadcast_in_dim3A_1 = vector.broadcast %broadcast_in_dim3A : f32 to vector<16xf32>
    %broadcast_in_dim3A_2 = arith.constant 0.000000e+00 : f32
    %broadcast_in_dim3A_3 = vector.broadcast %broadcast_in_dim3A_2 : f32 to vector<16xf32>
    %swap3A = arith.constant 0 : index
    %swap3A_4 = tpu.vector_load %arg15[%swap3A] {strides = array<i32>} : memref<80xf32, #tpu.memory_space<vmem>>, vector<16xf32>,
    %swap3A_5 = vector.shape_cast %swap3A_4 : vector<16xf32> to vector<16xf32>
    %swap3A_6 = vector.shape_cast %broadcast_in_dim3A_1 : vector<16xf32> to vector<16xf32>
    tpu.vector_store %arg15[%swap3A], %swap3A_6 {strides = array<i32>} : memref<80xf32, #tpu.memory_space<vmem>>, vector<16xf32>,
    %swap3A_7 = arith.constant 16 : index
    %swap3A_8 = tpu.vector_load %arg15[%swap3A_7] {strides = array<i32>} : memref<80xf32, #tpu.memory_space<vmem>>, vector<16xf32>,
    %swap3A_9 = vector.shape_cast %swap3A_8 : vector<16xf32> to vector<16xf32>
    %swap3A_10 = vector.shape_cast %broadcast_in_dim3A_1 : vector<16xf32> to vector<16xf32>
    tpu.vector_store %arg15[%swap3A_7], %swap3A_10 {strides = array<i32>} : memref<80xf32, #tpu.memory_space<vmem>>, vector<16xf32>,
    %swap3A_11 = arith.constant 32 : index
    %swap3A_12 = tpu.vector_load %arg15[%swap3A_11] {strides = array<i32>} : memref<80xf32, #tpu.memory_space<vmem>>, vector<16xf32>,
    %swap3A_13 = vector.shape_cast %swap3A_12 : vector<16xf32> to vector<16xf32>
    %swap3A_14 = vector.shape_cast %broadcast_in_dim3A_1 : vector<16xf32> to vector<16xf32>
    tpu.vector_store %arg15[%swap3A_11], %swap3A_14 {strides = array<i32>} : memref<80xf32, #tpu.memory_space<vmem>>, vector<16xf32>,
    %swap3A_15 = arith.constant 48 : index
    %swap3A_16 = tpu.vector_load %arg15[%swap3A_15] {strides = array<i32>} : memref<80xf32, #tpu.memory_space<vmem>>, vector<16xf32>,
    %swap3A_17 = vector.shape_cast %swap3A_16 : vector<16xf32> to vector<16xf32>
    %swap3A_18 = vector.shape_cast %broadcast_in_dim3A_1 : vector<16xf32> to vector<16xf32>
    tpu.vector_store %arg15[%swap3A_15], %swap3A_18 {strides = array<i32>} : memref<80xf32, #tpu.memory_space<vmem>>, vector<16xf32>,
    %swap3A_19 = arith.constant 64 : index
    %swap3A_20 = tpu.vector_load %arg15[%swap3A_19] {strides = array<i32>} : memref<80xf32, #tpu.memory_space<vmem>>, vector<16xf32>,
    %swap3A_21 = vector.shape_cast %swap3A_20 : vector<16xf32> to vector<16xf32>
    %swap3A_22 = vector.shape_cast %broadcast_in_dim3A_1 : vector<16xf32> to vector<16xf32>
    tpu.vector_store %arg15[%swap3A_19], %swap3A_22 {strides = array<i32>} : memref<80xf32, #tpu.memory_space<vmem>>, vector<16xf32>,
    %scan3A = arith.constant 0 : i32
    %scan3A_23 = arith.constant 0 : i32
    %scan3A_24 = arith.constant 640 : i32
    %scan3A_25 = arith.addi %scan3A_23, %scan3A_24 : i32
    %scan3A_26 = arith.constant 1 : i32
    scf.for %scan3A_88 = %scan3A_23 to %scan3A_25 step %scan3A_26  : i32 {
      %jit3A = arith.constant 8 : i32
      %div3A = arith.divsi %scan3A_88, %jit3A : i32
      %sign3A = arith.constant 0 : i32
      %sign3A_89 = arith.cmpi sgt, %scan3A_88, %sign3A : i32
      %sign3A_90 = arith.extui %sign3A_89 : i1 to i32
      %sign3A_91 = arith.constant 0 : i32
      %sign3A_92 = arith.cmpi slt, %scan3A_88, %sign3A_91 : i32
      %sign3A_93 = arith.extui %sign3A_92 : i1 to i32
      %sign3A_94 = arith.subi %sign3A_90, %sign3A_93 : i32
      %sign3A_95 = arith.constant 0 : i32
      %sign3A_96 = arith.cmpi sgt, %jit3A, %sign3A_95 : i32
      %sign3A_97 = arith.extui %sign3A_96 : i1 to i32
      %sign3A_98 = arith.constant 0 : i32
      %sign3A_99 = arith.cmpi slt, %jit3A, %sign3A_98 : i32
      %sign3A_100 = arith.extui %sign3A_99 : i1 to i32
      %sign3A_101 = arith.subi %sign3A_97, %sign3A_100 : i32
      %ne3A = arith.cmpi ne, %sign3A_94, %sign3A_101 : i32
      %rem3A = arith.remsi %scan3A_88, %jit3A : i32
      %ne3A_102 = arith.constant 0 : i32
      %ne3A_103 = arith.cmpi ne, %rem3A, %ne3A_102 : i32
      %and3A = arith.andi %ne3A, %ne3A_103 : i1
      %sub3A = arith.constant 1 : i32
      %sub3A_104 = arith.subi %div3A, %sub3A : i32
      %select_n3A = arith.select %and3A, %sub3A_104, %div3A : i32
      %mul3A_105 = arith.constant 8 : i32
      %mul3A_106 = arith.muli %select_n3A, %mul3A_105 : i32
      %sub3A_107 = arith.subi %scan3A_88, %mul3A_106 : i32
      %mul3A_108 = arith.constant 16 : i32
      %mul3A_109 = arith.muli %sub3A_107, %mul3A_108 : i32
      %swap3A_110 = arith.index_cast %select_n3A : i32 to index
      %swap3A_111 = arith.index_cast %mul3A_109 : i32 to index
      %swap3A_112 = tpu.vector_load %arg13[%swap3A_110, %swap3A_111] {strides = array<i32>} : memref<80x128xf32, #tpu.memory_space<vmem>>, vector<1x16xf32>,
      %swap3A_113 = vector.shape_cast %swap3A_112 : vector<1x16xf32> to vector<16xf32>
      %swap3A_114 = vector.shape_cast %broadcast_in_dim3A_3 : vector<16xf32> to vector<1x16xf32>
      tpu.vector_store %arg13[%swap3A_110, %swap3A_111], %swap3A_114 {strides = array<i32>} : memref<80x128xf32, #tpu.memory_space<vmem>>, vector<1x16xf32>,
    }
    %scan3A_27 = arith.constant 640 : i32
    %scan3A_28 = arith.constant 0 : i32
    %scan3A_29 = arith.constant 0 : i32
    %scan3A_30 = arith.constant 40 : i32
    %scan3A_31 = arith.addi %scan3A_29, %scan3A_30 : i32
    %scan3A_32 = arith.constant 1 : i32
    scf.for %scan3A_88 = %scan3A_29 to %scan3A_31 step %scan3A_32  : i32 {
      %mul3A_89 = arith.constant 16 : i32
      %mul3A_90 = arith.muli %scan3A_88, %mul3A_89 : i32
      %swap3A_91 = arith.index_cast %mul3A_90 : i32 to index
      %swap3A_92 = tpu.vector_load %arg16[%swap3A_91] {strides = array<i32>} : memref<640xf32, #tpu.memory_space<vmem>>, vector<16xf32>,
      %swap3A_93 = vector.shape_cast %swap3A_92 : vector<16xf32> to vector<16xf32>
      %swap3A_94 = vector.shape_cast %broadcast_in_dim3A_3 : vector<16xf32> to vector<16xf32>
      tpu.vector_store %arg16[%swap3A_91], %swap3A_94 {strides = array<i32>} : memref<640xf32, #tpu.memory_space<vmem>>, vector<16xf32>,
    }
    %scan3A_33 = arith.constant 40 : i32
    %mul3A_34 = arith.constant 640 : i32
    %mul3A_35 = arith.muli %arg1, %mul3A_34 : i32
    %add3A_36 = arith.constant 0 : i32
    %add3A_37 = arith.addi %mul3A_35, %add3A_36 : i32
    "tpu.region"() ({
      %run_scoped3A_88 = tpu.sem_alloc : memref<!tpu.dma_semaphore, #tpu.memory_space<semaphore_mem>>
      %dma_start3A_89 = arith.constant 0 : i32
      %dma_start3A_90 = tpu.memref_slice %arg7[%add3A_37, %dma_start3A_89] : memref<10240x128xf32, #tpu.memory_space<vmem_shared>> -> memref<80x128xf32, #tpu.memory_space<vmem_shared>>
      %dma_start3A_91 = arith.constant 0 : i32
      %dma_start3A_92 = tpu.memref_slice %arg7[%add3A_37, %dma_start3A_91] : memref<10240x128xf32, #tpu.memory_space<vmem_shared>> -> memref<80x128xf32, #tpu.memory_space<vmem_shared>>
      tpu.enqueue_dma source(%arg13 : memref<80x128xf32, #tpu.memory_space<vmem>>) target(%dma_start3A_92 : memref<80x128xf32, #tpu.memory_space<vmem_shared>>) target_semaphore(%run_scoped3A_88 : memref<!tpu.dma_semaphore, #tpu.memory_space<semaphore_mem>>)
      %dma_wait3A_93 = arith.constant 0 : i32
      %dma_wait3A_94 = tpu.memref_slice %arg7[%add3A_37, %dma_wait3A_93] : memref<10240x128xf32, #tpu.memory_space<vmem_shared>> -> memref<80x128xf32, #tpu.memory_space<vmem_shared>>
      %dma_wait3A_95 = arith.constant 0 : i32
      %dma_wait3A_96 = tpu.memref_slice %arg7[%add3A_37, %dma_wait3A_95] : memref<10240x128xf32, #tpu.memory_space<vmem_shared>> -> memref<80x128xf32, #tpu.memory_space<vmem_shared>>
      tpu.wait_dma2 semaphore(%run_scoped3A_88 : memref<!tpu.dma_semaphore, #tpu.memory_space<semaphore_mem>>) src(%arg13 : memref<80x128xf32, #tpu.memory_space<vmem>>) dst(%dma_wait3A_96 : memref<80x128xf32, #tpu.memory_space<vmem_shared>>)
      tpu.yield
    }) : () -> ()
    %mul3A_38 = arith.constant 640 : i32
    %mul3A_39 = arith.muli %arg1, %mul3A_38 : i32
    %add3A_40 = arith.constant 80 : i32
    %add3A_41 = arith.addi %mul3A_39, %add3A_40 : i32
    "tpu.region"() ({
      %run_scoped3A_88 = tpu.sem_alloc : memref<!tpu.dma_semaphore, #tpu.memory_space<semaphore_mem>>
      %dma_start3A_89 = arith.constant 0 : i32
      %dma_start3A_90 = tpu.memref_slice %arg7[%add3A_41, %dma_start3A_89] : memref<10240x128xf32, #tpu.memory_space<vmem_shared>> -> memref<80x128xf32, #tpu.memory_space<vmem_shared>>
      %dma_start3A_91 = arith.constant 0 : i32
      %dma_start3A_92 = tpu.memref_slice %arg7[%add3A_41, %dma_start3A_91] : memref<10240x128xf32, #tpu.memory_space<vmem_shared>> -> memref<80x128xf32, #tpu.memory_space<vmem_shared>>
      tpu.enqueue_dma source(%arg13 : memref<80x128xf32, #tpu.memory_space<vmem>>) target(%dma_start3A_92 : memref<80x128xf32, #tpu.memory_space<vmem_shared>>) target_semaphore(%run_scoped3A_88 : memref<!tpu.dma_semaphore, #tpu.memory_space<semaphore_mem>>)
      %dma_wait3A_93 = arith.constant 0 : i32
      %dma_wait3A_94 = tpu.memref_slice %arg7[%add3A_41, %dma_wait3A_93] : memref<10240x128xf32, #tpu.memory_space<vmem_shared>> -> memref<80x128xf32, #tpu.memory_space<vmem_shared>>
      %dma_wait3A_95 = arith.constant 0 : i32
      %dma_wait3A_96 = tpu.memref_slice %arg7[%add3A_41, %dma_wait3A_95] : memref<10240x128xf32, #tpu.memory_space<vmem_shared>> -> memref<80x128xf32, #tpu.memory_space<vmem_shared>>
      tpu.wait_dma2 semaphore(%run_scoped3A_88 : memref<!tpu.dma_semaphore, #tpu.memory_space<semaphore_mem>>) src(%arg13 : memref<80x128xf32, #tpu.memory_space<vmem>>) dst(%dma_wait3A_96 : memref<80x128xf32, #tpu.memory_space<vmem_shared>>)
      tpu.yield
    }) : () -> ()
    %mul3A_42 = arith.constant 640 : i32
    %mul3A_43 = arith.muli %arg1, %mul3A_42 : i32
    %add3A_44 = arith.constant 160 : i32
    %add3A_45 = arith.addi %mul3A_43, %add3A_44 : i32
    "tpu.region"() ({
      %run_scoped3A_88 = tpu.sem_alloc : memref<!tpu.dma_semaphore, #tpu.memory_space<semaphore_mem>>
      %dma_start3A_89 = arith.constant 0 : i32
      %dma_start3A_90 = tpu.memref_slice %arg7[%add3A_45, %dma_start3A_89] : memref<10240x128xf32, #tpu.memory_space<vmem_shared>> -> memref<80x128xf32, #tpu.memory_space<vmem_shared>>
      %dma_start3A_91 = arith.constant 0 : i32
      %dma_start3A_92 = tpu.memref_slice %arg7[%add3A_45, %dma_start3A_91] : memref<10240x128xf32, #tpu.memory_space<vmem_shared>> -> memref<80x128xf32, #tpu.memory_space<vmem_shared>>
      tpu.enqueue_dma source(%arg13 : memref<80x128xf32, #tpu.memory_space<vmem>>) target(%dma_start3A_92 : memref<80x128xf32, #tpu.memory_space<vmem_shared>>) target_semaphore(%run_scoped3A_88 : memref<!tpu.dma_semaphore, #tpu.memory_space<semaphore_mem>>)
      %dma_wait3A_93 = arith.constant 0 : i32
      %dma_wait3A_94 = tpu.memref_slice %arg7[%add3A_45, %dma_wait3A_93] : memref<10240x128xf32, #tpu.memory_space<vmem_shared>> -> memref<80x128xf32, #tpu.memory_space<vmem_shared>>
      %dma_wait3A_95 = arith.constant 0 : i32
      %dma_wait3A_96 = tpu.memref_slice %arg7[%add3A_45, %dma_wait3A_95] : memref<10240x128xf32, #tpu.memory_space<vmem_shared>> -> memref<80x128xf32, #tpu.memory_space<vmem_shared>>
      tpu.wait_dma2 semaphore(%run_scoped3A_88 : memref<!tpu.dma_semaphore, #tpu.memory_space<semaphore_mem>>) src(%arg13 : memref<80x128xf32, #tpu.memory_space<vmem>>) dst(%dma_wait3A_96 : memref<80x128xf32, #tpu.memory_space<vmem_shared>>)
      tpu.yield
    }) : () -> ()
    %mul3A_46 = arith.constant 640 : i32
    %mul3A_47 = arith.muli %arg1, %mul3A_46 : i32
    %add3A_48 = arith.constant 240 : i32
    %add3A_49 = arith.addi %mul3A_47, %add3A_48 : i32
    "tpu.region"() ({
      %run_scoped3A_88 = tpu.sem_alloc : memref<!tpu.dma_semaphore, #tpu.memory_space<semaphore_mem>>
      %dma_start3A_89 = arith.constant 0 : i32
      %dma_start3A_90 = tpu.memref_slice %arg7[%add3A_49, %dma_start3A_89] : memref<10240x128xf32, #tpu.memory_space<vmem_shared>> -> memref<80x128xf32, #tpu.memory_space<vmem_shared>>
      %dma_start3A_91 = arith.constant 0 : i32
      %dma_start3A_92 = tpu.memref_slice %arg7[%add3A_49, %dma_start3A_91] : memref<10240x128xf32, #tpu.memory_space<vmem_shared>> -> memref<80x128xf32, #tpu.memory_space<vmem_shared>>
      tpu.enqueue_dma source(%arg13 : memref<80x128xf32, #tpu.memory_space<vmem>>) target(%dma_start3A_92 : memref<80x128xf32, #tpu.memory_space<vmem_shared>>) target_semaphore(%run_scoped3A_88 : memref<!tpu.dma_semaphore, #tpu.memory_space<semaphore_mem>>)
      %dma_wait3A_93 = arith.constant 0 : i32
      %dma_wait3A_94 = tpu.memref_slice %arg7[%add3A_49, %dma_wait3A_93] : memref<10240x128xf32, #tpu.memory_space<vmem_shared>> -> memref<80x128xf32, #tpu.memory_space<vmem_shared>>
      %dma_wait3A_95 = arith.constant 0 : i32
      %dma_wait3A_96 = tpu.memref_slice %arg7[%add3A_49, %dma_wait3A_95] : memref<10240x128xf32, #tpu.memory_space<vmem_shared>> -> memref<80x128xf32, #tpu.memory_space<vmem_shared>>
      tpu.wait_dma2 semaphore(%run_scoped3A_88 : memref<!tpu.dma_semaphore, #tpu.memory_space<semaphore_mem>>) src(%arg13 : memref<80x128xf32, #tpu.memory_space<vmem>>) dst(%dma_wait3A_96 : memref<80x128xf32, #tpu.memory_space<vmem_shared>>)
      tpu.yield
    }) : () -> ()
    %mul3A_50 = arith.constant 640 : i32
    %mul3A_51 = arith.muli %arg1, %mul3A_50 : i32
    %add3A_52 = arith.constant 320 : i32
    %add3A_53 = arith.addi %mul3A_51, %add3A_52 : i32
    "tpu.region"() ({
      %run_scoped3A_88 = tpu.sem_alloc : memref<!tpu.dma_semaphore, #tpu.memory_space<semaphore_mem>>
      %dma_start3A_89 = arith.constant 0 : i32
      %dma_start3A_90 = tpu.memref_slice %arg7[%add3A_53, %dma_start3A_89] : memref<10240x128xf32, #tpu.memory_space<vmem_shared>> -> memref<80x128xf32, #tpu.memory_space<vmem_shared>>
      %dma_start3A_91 = arith.constant 0 : i32
      %dma_start3A_92 = tpu.memref_slice %arg7[%add3A_53, %dma_start3A_91] : memref<10240x128xf32, #tpu.memory_space<vmem_shared>> -> memref<80x128xf32, #tpu.memory_space<vmem_shared>>
      tpu.enqueue_dma source(%arg13 : memref<80x128xf32, #tpu.memory_space<vmem>>) target(%dma_start3A_92 : memref<80x128xf32, #tpu.memory_space<vmem_shared>>) target_semaphore(%run_scoped3A_88 : memref<!tpu.dma_semaphore, #tpu.memory_space<semaphore_mem>>)
      %dma_wait3A_93 = arith.constant 0 : i32
      %dma_wait3A_94 = tpu.memref_slice %arg7[%add3A_53, %dma_wait3A_93] : memref<10240x128xf32, #tpu.memory_space<vmem_shared>> -> memref<80x128xf32, #tpu.memory_space<vmem_shared>>
      %dma_wait3A_95 = arith.constant 0 : i32
      %dma_wait3A_96 = tpu.memref_slice %arg7[%add3A_53, %dma_wait3A_95] : memref<10240x128xf32, #tpu.memory_space<vmem_shared>> -> memref<80x128xf32, #tpu.memory_space<vmem_shared>>
      tpu.wait_dma2 semaphore(%run_scoped3A_88 : memref<!tpu.dma_semaphore, #tpu.memory_space<semaphore_mem>>) src(%arg13 : memref<80x128xf32, #tpu.memory_space<vmem>>) dst(%dma_wait3A_96 : memref<80x128xf32, #tpu.memory_space<vmem_shared>>)
      tpu.yield
    }) : () -> ()
    %mul3A_54 = arith.constant 640 : i32
    %mul3A_55 = arith.muli %arg1, %mul3A_54 : i32
    %add3A_56 = arith.constant 400 : i32
    %add3A_57 = arith.addi %mul3A_55, %add3A_56 : i32
    "tpu.region"() ({
      %run_scoped3A_88 = tpu.sem_alloc : memref<!tpu.dma_semaphore, #tpu.memory_space<semaphore_mem>>
      %dma_start3A_89 = arith.constant 0 : i32
      %dma_start3A_90 = tpu.memref_slice %arg7[%add3A_57, %dma_start3A_89] : memref<10240x128xf32, #tpu.memory_space<vmem_shared>> -> memref<80x128xf32, #tpu.memory_space<vmem_shared>>
      %dma_start3A_91 = arith.constant 0 : i32
      %dma_start3A_92 = tpu.memref_slice %arg7[%add3A_57, %dma_start3A_91] : memref<10240x128xf32, #tpu.memory_space<vmem_shared>> -> memref<80x128xf32, #tpu.memory_space<vmem_shared>>
      tpu.enqueue_dma source(%arg13 : memref<80x128xf32, #tpu.memory_space<vmem>>) target(%dma_start3A_92 : memref<80x128xf32, #tpu.memory_space<vmem_shared>>) target_semaphore(%run_scoped3A_88 : memref<!tpu.dma_semaphore, #tpu.memory_space<semaphore_mem>>)
      %dma_wait3A_93 = arith.constant 0 : i32
      %dma_wait3A_94 = tpu.memref_slice %arg7[%add3A_57, %dma_wait3A_93] : memref<10240x128xf32, #tpu.memory_space<vmem_shared>> -> memref<80x128xf32, #tpu.memory_space<vmem_shared>>
      %dma_wait3A_95 = arith.constant 0 : i32
      %dma_wait3A_96 = tpu.memref_slice %arg7[%add3A_57, %dma_wait3A_95] : memref<10240x128xf32, #tpu.memory_space<vmem_shared>> -> memref<80x128xf32, #tpu.memory_space<vmem_shared>>
      tpu.wait_dma2 semaphore(%run_scoped3A_88 : memref<!tpu.dma_semaphore, #tpu.memory_space<semaphore_mem>>) src(%arg13 : memref<80x128xf32, #tpu.memory_space<vmem>>) dst(%dma_wait3A_96 : memref<80x128xf32, #tpu.memory_space<vmem_shared>>)
      tpu.yield
    }) : () -> ()
    %mul3A_58 = arith.constant 640 : i32
    %mul3A_59 = arith.muli %arg1, %mul3A_58 : i32
    %add3A_60 = arith.constant 480 : i32
    %add3A_61 = arith.addi %mul3A_59, %add3A_60 : i32
    "tpu.region"() ({
      %run_scoped3A_88 = tpu.sem_alloc : memref<!tpu.dma_semaphore, #tpu.memory_space<semaphore_mem>>
      %dma_start3A_89 = arith.constant 0 : i32
      %dma_start3A_90 = tpu.memref_slice %arg7[%add3A_61, %dma_start3A_89] : memref<10240x128xf32, #tpu.memory_space<vmem_shared>> -> memref<80x128xf32, #tpu.memory_space<vmem_shared>>
      %dma_start3A_91 = arith.constant 0 : i32
      %dma_start3A_92 = tpu.memref_slice %arg7[%add3A_61, %dma_start3A_91] : memref<10240x128xf32, #tpu.memory_space<vmem_shared>> -> memref<80x128xf32, #tpu.memory_space<vmem_shared>>
      tpu.enqueue_dma source(%arg13 : memref<80x128xf32, #tpu.memory_space<vmem>>) target(%dma_start3A_92 : memref<80x128xf32, #tpu.memory_space<vmem_shared>>) target_semaphore(%run_scoped3A_88 : memref<!tpu.dma_semaphore, #tpu.memory_space<semaphore_mem>>)
      %dma_wait3A_93 = arith.constant 0 : i32
      %dma_wait3A_94 = tpu.memref_slice %arg7[%add3A_61, %dma_wait3A_93] : memref<10240x128xf32, #tpu.memory_space<vmem_shared>> -> memref<80x128xf32, #tpu.memory_space<vmem_shared>>
      %dma_wait3A_95 = arith.constant 0 : i32
      %dma_wait3A_96 = tpu.memref_slice %arg7[%add3A_61, %dma_wait3A_95] : memref<10240x128xf32, #tpu.memory_space<vmem_shared>> -> memref<80x128xf32, #tpu.memory_space<vmem_shared>>
      tpu.wait_dma2 semaphore(%run_scoped3A_88 : memref<!tpu.dma_semaphore, #tpu.memory_space<semaphore_mem>>) src(%arg13 : memref<80x128xf32, #tpu.memory_space<vmem>>) dst(%dma_wait3A_96 : memref<80x128xf32, #tpu.memory_space<vmem_shared>>)
      tpu.yield
    }) : () -> ()
    %mul3A_62 = arith.constant 640 : i32
    %mul3A_63 = arith.muli %arg1, %mul3A_62 : i32
    %add3A_64 = arith.constant 560 : i32
    %add3A_65 = arith.addi %mul3A_63, %add3A_64 : i32
    "tpu.region"() ({
      %run_scoped3A_88 = tpu.sem_alloc : memref<!tpu.dma_semaphore, #tpu.memory_space<semaphore_mem>>
      %dma_start3A_89 = arith.constant 0 : i32
      %dma_start3A_90 = tpu.memref_slice %arg7[%add3A_65, %dma_start3A_89] : memref<10240x128xf32, #tpu.memory_space<vmem_shared>> -> memref<80x128xf32, #tpu.memory_space<vmem_shared>>
      %dma_start3A_91 = arith.constant 0 : i32
      %dma_start3A_92 = tpu.memref_slice %arg7[%add3A_65, %dma_start3A_91] : memref<10240x128xf32, #tpu.memory_space<vmem_shared>> -> memref<80x128xf32, #tpu.memory_space<vmem_shared>>
      tpu.enqueue_dma source(%arg13 : memref<80x128xf32, #tpu.memory_space<vmem>>) target(%dma_start3A_92 : memref<80x128xf32, #tpu.memory_space<vmem_shared>>) target_semaphore(%run_scoped3A_88 : memref<!tpu.dma_semaphore, #tpu.memory_space<semaphore_mem>>)
      %dma_wait3A_93 = arith.constant 0 : i32
      %dma_wait3A_94 = tpu.memref_slice %arg7[%add3A_65, %dma_wait3A_93] : memref<10240x128xf32, #tpu.memory_space<vmem_shared>> -> memref<80x128xf32, #tpu.memory_space<vmem_shared>>
      %dma_wait3A_95 = arith.constant 0 : i32
      %dma_wait3A_96 = tpu.memref_slice %arg7[%add3A_65, %dma_wait3A_95] : memref<10240x128xf32, #tpu.memory_space<vmem_shared>> -> memref<80x128xf32, #tpu.memory_space<vmem_shared>>
      tpu.wait_dma2 semaphore(%run_scoped3A_88 : memref<!tpu.dma_semaphore, #tpu.memory_space<semaphore_mem>>) src(%arg13 : memref<80x128xf32, #tpu.memory_space<vmem>>) dst(%dma_wait3A_96 : memref<80x128xf32, #tpu.memory_space<vmem_shared>>)
      tpu.yield
    }) : () -> ()
    %mul3A_66 = arith.constant 640 : i32
    %mul3A_67 = arith.muli %arg1, %mul3A_66 : i32
    "tpu.region"() ({
      %run_scoped3A_88 = tpu.sem_alloc : memref<!tpu.dma_semaphore, #tpu.memory_space<semaphore_mem>>
      %dma_start3A_89 = tpu.memref_slice %arg8[%mul3A_67] : memref<10240xf32, #tpu.memory_space<vmem_shared>> -> memref<640xf32, #tpu.memory_space<vmem_shared>>
      %dma_start3A_90 = tpu.memref_slice %arg8[%mul3A_67] : memref<10240xf32, #tpu.memory_space<vmem_shared>> -> memref<640xf32, #tpu.memory_space<vmem_shared>>
      tpu.enqueue_dma source(%arg16 : memref<640xf32, #tpu.memory_space<vmem>>) target(%dma_start3A_90 : memref<640xf32, #tpu.memory_space<vmem_shared>>) target_semaphore(%run_scoped3A_88 : memref<!tpu.dma_semaphore, #tpu.memory_space<semaphore_mem>>)
      %dma_wait3A_91 = tpu.memref_slice %arg8[%mul3A_67] : memref<10240xf32, #tpu.memory_space<vmem_shared>> -> memref<640xf32, #tpu.memory_space<vmem_shared>>
      %dma_wait3A_92 = tpu.memref_slice %arg8[%mul3A_67] : memref<10240xf32, #tpu.memory_space<vmem_shared>> -> memref<640xf32, #tpu.memory_space<vmem_shared>>
      tpu.wait_dma2 semaphore(%run_scoped3A_88 : memref<!tpu.dma_semaphore, #tpu.memory_space<semaphore_mem>>) src(%arg16 : memref<640xf32, #tpu.memory_space<vmem>>) dst(%dma_wait3A_92 : memref<640xf32, #tpu.memory_space<vmem_shared>>)
      tpu.yield
    }) : () -> ()
    %barrier3A = arith.constant 0 : index
    tpu.barrier barrier_id(%barrier3A)
    %run_scoped3A = arith.constant 0 : i32
    "tpu.region"() ({
      %run_scoped3A_88 = tpu.sem_alloc : memref<!tpu.dma_semaphore, #tpu.memory_space<semaphore_mem>>
      %dma_start3A_89 = arith.constant 0 : i32
      %dma_start3A_90 = tpu.memref_slice %arg3[%add3A, %run_scoped3A, %dma_start3A_89] : memref<32x125x80xi32, #tpu.memory_space<hbm>> -> memref<1x1x80xi32, #tpu.memory_space<hbm>>
      %dma_start3A_91 = tpu.memref_squeeze %dma_start3A_90 : memref<1x1x80xi32, #tpu.memory_space<hbm>> -> memref<80xi32, #tpu.memory_space<hbm>>
      %dma_start3A_92 = arith.constant 0 : i32
      %dma_start3A_93 = tpu.memref_slice %arg3[%add3A, %run_scoped3A, %dma_start3A_92] : memref<32x125x80xi32, #tpu.memory_space<hbm>> -> memref<1x1x80xi32, #tpu.memory_space<hbm>>
      %dma_start3A_94 = tpu.memref_squeeze %dma_start3A_93 : memref<1x1x80xi32, #tpu.memory_space<hbm>> -> memref<80xi32, #tpu.memory_space<hbm>>
      tpu.enqueue_dma source(%dma_start3A_94 : memref<80xi32, #tpu.memory_space<hbm>>) target(%arg9 : memref<80xi32, #tpu.memory_space<vmem>>) target_semaphore(%run_scoped3A_88 : memref<!tpu.dma_semaphore, #tpu.memory_space<semaphore_mem>>)
      %dma_wait3A_95 = arith.constant 0 : i32
      %dma_wait3A_96 = tpu.memref_slice %arg3[%add3A, %run_scoped3A, %dma_wait3A_95] : memref<32x125x80xi32, #tpu.memory_space<hbm>> -> memref<1x1x80xi32, #tpu.memory_space<hbm>>
      %dma_wait3A_97 = tpu.memref_squeeze %dma_wait3A_96 : memref<1x1x80xi32, #tpu.memory_space<hbm>> -> memref<80xi32, #tpu.memory_space<hbm>>
      %dma_wait3A_98 = arith.constant 0 : i32
      %dma_wait3A_99 = tpu.memref_slice %arg3[%add3A, %run_scoped3A, %dma_wait3A_98] : memref<32x125x80xi32, #tpu.memory_space<hbm>> -> memref<1x1x80xi32, #tpu.memory_space<hbm>>
      %dma_wait3A_100 = tpu.memref_squeeze %dma_wait3A_99 : memref<1x1x80xi32, #tpu.memory_space<hbm>> -> memref<80xi32, #tpu.memory_space<hbm>>
      tpu.wait_dma2 semaphore(%run_scoped3A_88 : memref<!tpu.dma_semaphore, #tpu.memory_space<semaphore_mem>>) src(%dma_wait3A_100 : memref<80xi32, #tpu.memory_space<hbm>>) dst(%arg9 : memref<80xi32, #tpu.memory_space<vmem>>)
      tpu.yield
    }) : () -> ()
    %run_scoped3A_68 = arith.constant 0 : i32
    "tpu.region"() ({
      %run_scoped3A_88 = tpu.sem_alloc : memref<!tpu.dma_semaphore, #tpu.memory_space<semaphore_mem>>
      %dma_start3A_89 = arith.constant 0 : i32
      %dma_start3A_90 = tpu.memref_slice %arg4[%add3A, %run_scoped3A_68, %dma_start3A_89] : memref<32x125x80xi32, #tpu.memory_space<hbm>> -> memref<1x1x80xi32, #tpu.memory_space<hbm>>
      %dma_start3A_91 = tpu.memref_squeeze %dma_start3A_90 : memref<1x1x80xi32, #tpu.memory_space<hbm>> -> memref<80xi32, #tpu.memory_space<hbm>>
      %dma_start3A_92 = arith.constant 0 : i32
      %dma_start3A_93 = tpu.memref_slice %arg4[%add3A, %run_scoped3A_68, %dma_start3A_92] : memref<32x125x80xi32, #tpu.memory_space<hbm>> -> memref<1x1x80xi32, #tpu.memory_space<hbm>>
      %dma_start3A_94 = tpu.memref_squeeze %dma_start3A_93 : memref<1x1x80xi32, #tpu.memory_space<hbm>> -> memref<80xi32, #tpu.memory_space<hbm>>
      tpu.enqueue_dma source(%dma_start3A_94 : memref<80xi32, #tpu.memory_space<hbm>>) target(%arg10 : memref<80xi32, #tpu.memory_space<vmem>>) target_semaphore(%run_scoped3A_88 : memref<!tpu.dma_semaphore, #tpu.memory_space<semaphore_mem>>)
      %dma_wait3A_95 = arith.constant 0 : i32
      %dma_wait3A_96 = tpu.memref_slice %arg4[%add3A, %run_scoped3A_68, %dma_wait3A_95] : memref<32x125x80xi32, #tpu.memory_space<hbm>> -> memref<1x1x80xi32, #tpu.memory_space<hbm>>
      %dma_wait3A_97 = tpu.memref_squeeze %dma_wait3A_96 : memref<1x1x80xi32, #tpu.memory_space<hbm>> -> memref<80xi32, #tpu.memory_space<hbm>>
      %dma_wait3A_98 = arith.constant 0 : i32
      %dma_wait3A_99 = tpu.memref_slice %arg4[%add3A, %run_scoped3A_68, %dma_wait3A_98] : memref<32x125x80xi32, #tpu.memory_space<hbm>> -> memref<1x1x80xi32, #tpu.memory_space<hbm>>
      %dma_wait3A_100 = tpu.memref_squeeze %dma_wait3A_99 : memref<1x1x80xi32, #tpu.memory_space<hbm>> -> memref<80xi32, #tpu.memory_space<hbm>>
      tpu.wait_dma2 semaphore(%run_scoped3A_88 : memref<!tpu.dma_semaphore, #tpu.memory_space<semaphore_mem>>) src(%dma_wait3A_100 : memref<80xi32, #tpu.memory_space<hbm>>) dst(%arg10 : memref<80xi32, #tpu.memory_space<vmem>>)
      tpu.yield
    }) : () -> ()
    %dma_start3A = arith.constant 0 : i32
    %dma_start3A_69 = arith.constant 0 : i32
    %dma_start3A_70 = tpu.memref_slice %arg2[%dma_start3A, %dma_start3A_69] : memref<10000x128xf32, #tpu.memory_space<hbm>> -> memref<10000x128xf32, #tpu.memory_space<hbm>>
    tpu.enqueue_indirect_dma source(%dma_start3A_70 : memref<10000x128xf32, #tpu.memory_space<hbm>>) target(%arg13 : memref<80x128xf32, #tpu.memory_space<vmem>>) offsets(%arg9 : memref<80xi32, #tpu.memory_space<vmem>>) semaphore(%arg17 : memref<!tpu.dma_semaphore, #tpu.memory_space<semaphore_mem>>)
    %scan3A_71 = arith.constant 0 : i32
    %scan3A_72 = arith.constant 0 : i32
    %scan3A_73 = arith.constant 62 : i32
    %scan3A_74 = arith.addi %scan3A_72, %scan3A_73 : i32
    %scan3A_75 = arith.constant 1 : i32
    scf.for %scan3A_88 = %scan3A_72 to %scan3A_74 step %scan3A_75  : i32 {
      %mul3A_89 = arith.constant 2 : i32
      %mul3A_90 = arith.muli %mul3A_89, %scan3A_88 : i32
      %add3A_91 = arith.constant 1 : i32
      %add3A_92 = arith.addi %mul3A_90, %add3A_91 : i32
      "tpu.region"() ({
        %run_scoped3A_107 = tpu.sem_alloc : memref<!tpu.dma_semaphore, #tpu.memory_space<semaphore_mem>>
        %dma_start3A_108 = arith.constant 0 : i32
        %dma_start3A_109 = tpu.memref_slice %arg3[%add3A, %add3A_92, %dma_start3A_108] : memref<32x125x80xi32, #tpu.memory_space<hbm>> -> memref<1x1x80xi32, #tpu.memory_space<hbm>>
        %dma_start3A_110 = tpu.memref_squeeze %dma_start3A_109 : memref<1x1x80xi32, #tpu.memory_space<hbm>> -> memref<80xi32, #tpu.memory_space<hbm>>
        %dma_start3A_111 = arith.constant 0 : i32
        %dma_start3A_112 = tpu.memref_slice %arg3[%add3A, %add3A_92, %dma_start3A_111] : memref<32x125x80xi32, #tpu.memory_space<hbm>> -> memref<1x1x80xi32, #tpu.memory_space<hbm>>
        %dma_start3A_113 = tpu.memref_squeeze %dma_start3A_112 : memref<1x1x80xi32, #tpu.memory_space<hbm>> -> memref<80xi32, #tpu.memory_space<hbm>>
        tpu.enqueue_dma source(%dma_start3A_113 : memref<80xi32, #tpu.memory_space<hbm>>) target(%arg11 : memref<80xi32, #tpu.memory_space<vmem>>) target_semaphore(%run_scoped3A_107 : memref<!tpu.dma_semaphore, #tpu.memory_space<semaphore_mem>>)
        %dma_wait3A_114 = arith.constant 0 : i32
        %dma_wait3A_115 = tpu.memref_slice %arg3[%add3A, %add3A_92, %dma_wait3A_114] : memref<32x125x80xi32, #tpu.memory_space<hbm>> -> memref<1x1x80xi32, #tpu.memory_space<hbm>>
        %dma_wait3A_116 = tpu.memref_squeeze %dma_wait3A_115 : memref<1x1x80xi32, #tpu.memory_space<hbm>> -> memref<80xi32, #tpu.memory_space<hbm>>
        %dma_wait3A_117 = arith.constant 0 : i32
        %dma_wait3A_118 = tpu.memref_slice %arg3[%add3A, %add3A_92, %dma_wait3A_117] : memref<32x125x80xi32, #tpu.memory_space<hbm>> -> memref<1x1x80xi32, #tpu.memory_space<hbm>>
        %dma_wait3A_119 = tpu.memref_squeeze %dma_wait3A_118 : memref<1x1x80xi32, #tpu.memory_space<hbm>> -> memref<80xi32, #tpu.memory_space<hbm>>
        tpu.wait_dma2 semaphore(%run_scoped3A_107 : memref<!tpu.dma_semaphore, #tpu.memory_space<semaphore_mem>>) src(%dma_wait3A_119 : memref<80xi32, #tpu.memory_space<hbm>>) dst(%arg11 : memref<80xi32, #tpu.memory_space<vmem>>)
        tpu.yield
      }) : () -> ()
      "tpu.region"() ({
        %run_scoped3A_107 = tpu.sem_alloc : memref<!tpu.dma_semaphore, #tpu.memory_space<semaphore_mem>>
        %dma_start3A_108 = arith.constant 0 : i32
        %dma_start3A_109 = tpu.memref_slice %arg4[%add3A, %add3A_92, %dma_start3A_108] : memref<32x125x80xi32, #tpu.memory_space<hbm>> -> memref<1x1x80xi32, #tpu.memory_space<hbm>>
        %dma_start3A_110 = tpu.memref_squeeze %dma_start3A_109 : memref<1x1x80xi32, #tpu.memory_space<hbm>> -> memref<80xi32, #tpu.memory_space<hbm>>
        %dma_start3A_111 = arith.constant 0 : i32
        %dma_start3A_112 = tpu.memref_slice %arg4[%add3A, %add3A_92, %dma_start3A_111] : memref<32x125x80xi32, #tpu.memory_space<hbm>> -> memref<1x1x80xi32, #tpu.memory_space<hbm>>
        %dma_start3A_113 = tpu.memref_squeeze %dma_start3A_112 : memref<1x1x80xi32, #tpu.memory_space<hbm>> -> memref<80xi32, #tpu.memory_space<hbm>>
        tpu.enqueue_dma source(%dma_start3A_113 : memref<80xi32, #tpu.memory_space<hbm>>) target(%arg12 : memref<80xi32, #tpu.memory_space<vmem>>) target_semaphore(%run_scoped3A_107 : memref<!tpu.dma_semaphore, #tpu.memory_space<semaphore_mem>>)
        %dma_wait3A_114 = arith.constant 0 : i32
        %dma_wait3A_115 = tpu.memref_slice %arg4[%add3A, %add3A_92, %dma_wait3A_114] : memref<32x125x80xi32, #tpu.memory_space<hbm>> -> memref<1x1x80xi32, #tpu.memory_space<hbm>>
        %dma_wait3A_116 = tpu.memref_squeeze %dma_wait3A_115 : memref<1x1x80xi32, #tpu.memory_space<hbm>> -> memref<80xi32, #tpu.memory_space<hbm>>
        %dma_wait3A_117 = arith.constant 0 : i32
        %dma_wait3A_118 = tpu.memref_slice %arg4[%add3A, %add3A_92, %dma_wait3A_117] : memref<32x125x80xi32, #tpu.memory_space<hbm>> -> memref<1x1x80xi32, #tpu.memory_space<hbm>>
        %dma_wait3A_119 = tpu.memref_squeeze %dma_wait3A_118 : memref<1x1x80xi32, #tpu.memory_space<hbm>> -> memref<80xi32, #tpu.memory_space<hbm>>
        tpu.wait_dma2 semaphore(%run_scoped3A_107 : memref<!tpu.dma_semaphore, #tpu.memory_space<semaphore_mem>>) src(%dma_wait3A_119 : memref<80xi32, #tpu.memory_space<hbm>>) dst(%arg12 : memref<80xi32, #tpu.memory_space<vmem>>)
        tpu.yield
      }) : () -> ()
      %dma_start3A_93 = arith.constant 0 : i32
      %dma_start3A_94 = arith.constant 0 : i32
      %dma_start3A_95 = tpu.memref_slice %arg2[%dma_start3A_93, %dma_start3A_94] : memref<10000x128xf32, #tpu.memory_space<hbm>> -> memref<10000x128xf32, #tpu.memory_space<hbm>>
      tpu.enqueue_indirect_dma source(%dma_start3A_95 : memref<10000x128xf32, #tpu.memory_space<hbm>>) target(%arg14 : memref<80x128xf32, #tpu.memory_space<vmem>>) offsets(%arg11 : memref<80xi32, #tpu.memory_space<vmem>>) semaphore(%arg18 : memref<!tpu.dma_semaphore, #tpu.memory_space<semaphore_mem>>)
      %dma_wait3A_96 = arith.constant 0 : i32
      %dma_wait3A_97 = arith.constant 0 : i32
      %dma_wait3A_98 = tpu.memref_slice %arg2[%dma_wait3A_96, %dma_wait3A_97] : memref<10000x128xf32, #tpu.memory_space<hbm>> -> memref<10000x128xf32, #tpu.memory_space<hbm>>
      tpu.wait_indirect_dma semaphore(%arg17 : memref<!tpu.dma_semaphore, #tpu.memory_space<semaphore_mem>>) src(%dma_wait3A_98 : memref<10000x128xf32, #tpu.memory_space<hbm>>) dst(%arg13 : memref<80x128xf32, #tpu.memory_space<vmem>>)
      "tpu.region"() ({
        %run_scoped3A_107 = tpu.sem_alloc : memref<!tpu.dma_semaphore, #tpu.memory_space<semaphore_mem>>
        %dma_start3A_108 = arith.constant 0 : i32
        %dma_start3A_109 = arith.constant 0 : i32
        %dma_start3A_110 = tpu.memref_slice %arg7[%dma_start3A_108, %dma_start3A_109] : memref<10240x128xf32, #tpu.memory_space<vmem_shared>> -> memref<10240x128xf32, #tpu.memory_space<vmem_shared>>
        tpu.enqueue_indirect_dma source(%arg13 : memref<80x128xf32, #tpu.memory_space<vmem>>) target(%dma_start3A_110 : memref<10240x128xf32, #tpu.memory_space<vmem_shared>>) offsets(%arg10 : memref<80xi32, #tpu.memory_space<vmem>>) semaphore(%run_scoped3A_107 : memref<!tpu.dma_semaphore, #tpu.memory_space<semaphore_mem>>) {add = true}
        %dma_wait3A_111 = arith.constant 0 : i32
        %dma_wait3A_112 = arith.constant 0 : i32
        %dma_wait3A_113 = tpu.memref_slice %arg7[%dma_wait3A_111, %dma_wait3A_112] : memref<10240x128xf32, #tpu.memory_space<vmem_shared>> -> memref<10240x128xf32, #tpu.memory_space<vmem_shared>>
        tpu.wait_indirect_dma semaphore(%run_scoped3A_107 : memref<!tpu.dma_semaphore, #tpu.memory_space<semaphore_mem>>) src(%arg13 : memref<80x128xf32, #tpu.memory_space<vmem>>) dst(%dma_wait3A_113 : memref<10240x128xf32, #tpu.memory_space<vmem_shared>>)
        tpu.yield
      }) : () -> ()
      "tpu.region"() ({
        %run_scoped3A_107 = tpu.sem_alloc : memref<!tpu.dma_semaphore, #tpu.memory_space<semaphore_mem>>
        %dma_start3A_108 = arith.constant 0 : i32
        %dma_start3A_109 = tpu.memref_slice %arg8[%dma_start3A_108] : memref<10240xf32, #tpu.memory_space<vmem_shared>> -> memref<10240xf32, #tpu.memory_space<vmem_shared>>
        tpu.enqueue_indirect_dma source(%arg15 : memref<80xf32, #tpu.memory_space<vmem>>) target(%dma_start3A_109 : memref<10240xf32, #tpu.memory_space<vmem_shared>>) offsets(%arg10 : memref<80xi32, #tpu.memory_space<vmem>>) semaphore(%run_scoped3A_107 : memref<!tpu.dma_semaphore, #tpu.memory_space<semaphore_mem>>) {add = true}
        %dma_wait3A_110 = arith.constant 0 : i32
        %dma_wait3A_111 = tpu.memref_slice %arg8[%dma_wait3A_110] : memref<10240xf32, #tpu.memory_space<vmem_shared>> -> memref<10240xf32, #tpu.memory_space<vmem_shared>>
        tpu.wait_indirect_dma semaphore(%run_scoped3A_107 : memref<!tpu.dma_semaphore, #tpu.memory_space<semaphore_mem>>) src(%arg15 : memref<80xf32, #tpu.memory_space<vmem>>) dst(%dma_wait3A_111 : memref<10240xf32, #tpu.memory_space<vmem_shared>>)
        tpu.yield
      }) : () -> ()
      %add3A_99 = arith.constant 2 : i32
      %add3A_100 = arith.addi %mul3A_90, %add3A_99 : i32
      "tpu.region"() ({
        %run_scoped3A_107 = tpu.sem_alloc : memref<!tpu.dma_semaphore, #tpu.memory_space<semaphore_mem>>
        %dma_start3A_108 = arith.constant 0 : i32
        %dma_start3A_109 = tpu.memref_slice %arg3[%add3A, %add3A_100, %dma_start3A_108] : memref<32x125x80xi32, #tpu.memory_space<hbm>> -> memref<1x1x80xi32, #tpu.memory_space<hbm>>
        %dma_start3A_110 = tpu.memref_squeeze %dma_start3A_109 : memref<1x1x80xi32, #tpu.memory_space<hbm>> -> memref<80xi32, #tpu.memory_space<hbm>>
        %dma_start3A_111 = arith.constant 0 : i32
        %dma_start3A_112 = tpu.memref_slice %arg3[%add3A, %add3A_100, %dma_start3A_111] : memref<32x125x80xi32, #tpu.memory_space<hbm>> -> memref<1x1x80xi32, #tpu.memory_space<hbm>>
        %dma_start3A_113 = tpu.memref_squeeze %dma_start3A_112 : memref<1x1x80xi32, #tpu.memory_space<hbm>> -> memref<80xi32, #tpu.memory_space<hbm>>
        tpu.enqueue_dma source(%dma_start3A_113 : memref<80xi32, #tpu.memory_space<hbm>>) target(%arg9 : memref<80xi32, #tpu.memory_space<vmem>>) target_semaphore(%run_scoped3A_107 : memref<!tpu.dma_semaphore, #tpu.memory_space<semaphore_mem>>)
        %dma_wait3A_114 = arith.constant 0 : i32
        %dma_wait3A_115 = tpu.memref_slice %arg3[%add3A, %add3A_100, %dma_wait3A_114] : memref<32x125x80xi32, #tpu.memory_space<hbm>> -> memref<1x1x80xi32, #tpu.memory_space<hbm>>
        %dma_wait3A_116 = tpu.memref_squeeze %dma_wait3A_115 : memref<1x1x80xi32, #tpu.memory_space<hbm>> -> memref<80xi32, #tpu.memory_space<hbm>>
        %dma_wait3A_117 = arith.constant 0 : i32
        %dma_wait3A_118 = tpu.memref_slice %arg3[%add3A, %add3A_100, %dma_wait3A_117] : memref<32x125x80xi32, #tpu.memory_space<hbm>> -> memref<1x1x80xi32, #tpu.memory_space<hbm>>
        %dma_wait3A_119 = tpu.memref_squeeze %dma_wait3A_118 : memref<1x1x80xi32, #tpu.memory_space<hbm>> -> memref<80xi32, #tpu.memory_space<hbm>>
        tpu.wait_dma2 semaphore(%run_scoped3A_107 : memref<!tpu.dma_semaphore, #tpu.memory_space<semaphore_mem>>) src(%dma_wait3A_119 : memref<80xi32, #tpu.memory_space<hbm>>) dst(%arg9 : memref<80xi32, #tpu.memory_space<vmem>>)
        tpu.yield
      }) : () -> ()
      "tpu.region"() ({
        %run_scoped3A_107 = tpu.sem_alloc : memref<!tpu.dma_semaphore, #tpu.memory_space<semaphore_mem>>
        %dma_start3A_108 = arith.constant 0 : i32
        %dma_start3A_109 = tpu.memref_slice %arg4[%add3A, %add3A_100, %dma_start3A_108] : memref<32x125x80xi32, #tpu.memory_space<hbm>> -> memref<1x1x80xi32, #tpu.memory_space<hbm>>
        %dma_start3A_110 = tpu.memref_squeeze %dma_start3A_109 : memref<1x1x80xi32, #tpu.memory_space<hbm>> -> memref<80xi32, #tpu.memory_space<hbm>>
        %dma_start3A_111 = arith.constant 0 : i32
        %dma_start3A_112 = tpu.memref_slice %arg4[%add3A, %add3A_100, %dma_start3A_111] : memref<32x125x80xi32, #tpu.memory_space<hbm>> -> memref<1x1x80xi32, #tpu.memory_space<hbm>>
        %dma_start3A_113 = tpu.memref_squeeze %dma_start3A_112 : memref<1x1x80xi32, #tpu.memory_space<hbm>> -> memref<80xi32, #tpu.memory_space<hbm>>
        tpu.enqueue_dma source(%dma_start3A_113 : memref<80xi32, #tpu.memory_space<hbm>>) target(%arg10 : memref<80xi32, #tpu.memory_space<vmem>>) target_semaphore(%run_scoped3A_107 : memref<!tpu.dma_semaphore, #tpu.memory_space<semaphore_mem>>)
        %dma_wait3A_114 = arith.constant 0 : i32
        %dma_wait3A_115 = tpu.memref_slice %arg4[%add3A, %add3A_100, %dma_wait3A_114] : memref<32x125x80xi32, #tpu.memory_space<hbm>> -> memref<1x1x80xi32, #tpu.memory_space<hbm>>
        %dma_wait3A_116 = tpu.memref_squeeze %dma_wait3A_115 : memref<1x1x80xi32, #tpu.memory_space<hbm>> -> memref<80xi32, #tpu.memory_space<hbm>>
        %dma_wait3A_117 = arith.constant 0 : i32
        %dma_wait3A_118 = tpu.memref_slice %arg4[%add3A, %add3A_100, %dma_wait3A_117] : memref<32x125x80xi32, #tpu.memory_space<hbm>> -> memref<1x1x80xi32, #tpu.memory_space<hbm>>
        %dma_wait3A_119 = tpu.memref_squeeze %dma_wait3A_118 : memref<1x1x80xi32, #tpu.memory_space<hbm>> -> memref<80xi32, #tpu.memory_space<hbm>>
        tpu.wait_dma2 semaphore(%run_scoped3A_107 : memref<!tpu.dma_semaphore, #tpu.memory_space<semaphore_mem>>) src(%dma_wait3A_119 : memref<80xi32, #tpu.memory_space<hbm>>) dst(%arg10 : memref<80xi32, #tpu.memory_space<vmem>>)
        tpu.yield
      }) : () -> ()
      %dma_start3A_101 = arith.constant 0 : i32
      %dma_start3A_102 = arith.constant 0 : i32
      %dma_start3A_103 = tpu.memref_slice %arg2[%dma_start3A_101, %dma_start3A_102] : memref<10000x128xf32, #tpu.memory_space<hbm>> -> memref<10000x128xf32, #tpu.memory_space<hbm>>
      tpu.enqueue_indirect_dma source(%dma_start3A_103 : memref<10000x128xf32, #tpu.memory_space<hbm>>) target(%arg13 : memref<80x128xf32, #tpu.memory_space<vmem>>) offsets(%arg9 : memref<80xi32, #tpu.memory_space<vmem>>) semaphore(%arg17 : memref<!tpu.dma_semaphore, #tpu.memory_space<semaphore_mem>>)
      %dma_wait3A_104 = arith.constant 0 : i32
      %dma_wait3A_105 = arith.constant 0 : i32
      %dma_wait3A_106 = tpu.memref_slice %arg2[%dma_wait3A_104, %dma_wait3A_105] : memref<10000x128xf32, #tpu.memory_space<hbm>> -> memref<10000x128xf32, #tpu.memory_space<hbm>>
      tpu.wait_indirect_dma semaphore(%arg18 : memref<!tpu.dma_semaphore, #tpu.memory_space<semaphore_mem>>) src(%dma_wait3A_106 : memref<10000x128xf32, #tpu.memory_space<hbm>>) dst(%arg14 : memref<80x128xf32, #tpu.memory_space<vmem>>)
      "tpu.region"() ({
        %run_scoped3A_107 = tpu.sem_alloc : memref<!tpu.dma_semaphore, #tpu.memory_space<semaphore_mem>>
        %dma_start3A_108 = arith.constant 0 : i32
        %dma_start3A_109 = arith.constant 0 : i32
        %dma_start3A_110 = tpu.memref_slice %arg7[%dma_start3A_108, %dma_start3A_109] : memref<10240x128xf32, #tpu.memory_space<vmem_shared>> -> memref<10240x128xf32, #tpu.memory_space<vmem_shared>>
        tpu.enqueue_indirect_dma source(%arg14 : memref<80x128xf32, #tpu.memory_space<vmem>>) target(%dma_start3A_110 : memref<10240x128xf32, #tpu.memory_space<vmem_shared>>) offsets(%arg12 : memref<80xi32, #tpu.memory_space<vmem>>) semaphore(%run_scoped3A_107 : memref<!tpu.dma_semaphore, #tpu.memory_space<semaphore_mem>>) {add = true}
        %dma_wait3A_111 = arith.constant 0 : i32
        %dma_wait3A_112 = arith.constant 0 : i32
        %dma_wait3A_113 = tpu.memref_slice %arg7[%dma_wait3A_111, %dma_wait3A_112] : memref<10240x128xf32, #tpu.memory_space<vmem_shared>> -> memref<10240x128xf32, #tpu.memory_space<vmem_shared>>
        tpu.wait_indirect_dma semaphore(%run_scoped3A_107 : memref<!tpu.dma_semaphore, #tpu.memory_space<semaphore_mem>>) src(%arg14 : memref<80x128xf32, #tpu.memory_space<vmem>>) dst(%dma_wait3A_113 : memref<10240x128xf32, #tpu.memory_space<vmem_shared>>)
        tpu.yield
      }) : () -> ()
      "tpu.region"() ({
        %run_scoped3A_107 = tpu.sem_alloc : memref<!tpu.dma_semaphore, #tpu.memory_space<semaphore_mem>>
        %dma_start3A_108 = arith.constant 0 : i32
        %dma_start3A_109 = tpu.memref_slice %arg8[%dma_start3A_108] : memref<10240xf32, #tpu.memory_space<vmem_shared>> -> memref<10240xf32, #tpu.memory_space<vmem_shared>>
        tpu.enqueue_indirect_dma source(%arg15 : memref<80xf32, #tpu.memory_space<vmem>>) target(%dma_start3A_109 : memref<10240xf32, #tpu.memory_space<vmem_shared>>) offsets(%arg12 : memref<80xi32, #tpu.memory_space<vmem>>) semaphore(%run_scoped3A_107 : memref<!tpu.dma_semaphore, #tpu.memory_space<semaphore_mem>>) {add = true}
        %dma_wait3A_110 = arith.constant 0 : i32
        %dma_wait3A_111 = tpu.memref_slice %arg8[%dma_wait3A_110] : memref<10240xf32, #tpu.memory_space<vmem_shared>> -> memref<10240xf32, #tpu.memory_space<vmem_shared>>
        tpu.wait_indirect_dma semaphore(%run_scoped3A_107 : memref<!tpu.dma_semaphore, #tpu.memory_space<semaphore_mem>>) src(%arg15 : memref<80xf32, #tpu.memory_space<vmem>>) dst(%dma_wait3A_111 : memref<10240xf32, #tpu.memory_space<vmem_shared>>)
        tpu.yield
      }) : () -> ()
    }
    %scan3A_76 = arith.constant 62 : i32
    %dma_wait3A = arith.constant 0 : i32
    %dma_wait3A_77 = arith.constant 0 : i32
    %dma_wait3A_78 = tpu.memref_slice %arg2[%dma_wait3A, %dma_wait3A_77] : memref<10000x128xf32, #tpu.memory_space<hbm>> -> memref<10000x128xf32, #tpu.memory_space<hbm>>
    tpu.wait_indirect_dma semaphore(%arg17 : memref<!tpu.dma_semaphore, #tpu.memory_space<semaphore_mem>>) src(%dma_wait3A_78 : memref<10000x128xf32, #tpu.memory_space<hbm>>) dst(%arg13 : memref<80x128xf32, #tpu.memory_space<vmem>>)
    "tpu.region"() ({
      %run_scoped3A_88 = tpu.sem_alloc : memref<!tpu.dma_semaphore, #tpu.memory_space<semaphore_mem>>
      %dma_start3A_89 = arith.constant 0 : i32
      %dma_start3A_90 = arith.constant 0 : i32
      %dma_start3A_91 = tpu.memref_slice %arg7[%dma_start3A_89, %dma_start3A_90] : memref<10240x128xf32, #tpu.memory_space<vmem_shared>> -> memref<10240x128xf32, #tpu.memory_space<vmem_shared>>
      tpu.enqueue_indirect_dma source(%arg13 : memref<80x128xf32, #tpu.memory_space<vmem>>) target(%dma_start3A_91 : memref<10240x128xf32, #tpu.memory_space<vmem_shared>>) offsets(%arg10 : memref<80xi32, #tpu.memory_space<vmem>>) semaphore(%run_scoped3A_88 : memref<!tpu.dma_semaphore, #tpu.memory_space<semaphore_mem>>) {add = true}
      %dma_wait3A_92 = arith.constant 0 : i32
      %dma_wait3A_93 = arith.constant 0 : i32
      %dma_wait3A_94 = tpu.memref_slice %arg7[%dma_wait3A_92, %dma_wait3A_93] : memref<10240x128xf32, #tpu.memory_space<vmem_shared>> -> memref<10240x128xf32, #tpu.memory_space<vmem_shared>>
      tpu.wait_indirect_dma semaphore(%run_scoped3A_88 : memref<!tpu.dma_semaphore, #tpu.memory_space<semaphore_mem>>) src(%arg13 : memref<80x128xf32, #tpu.memory_space<vmem>>) dst(%dma_wait3A_94 : memref<10240x128xf32, #tpu.memory_space<vmem_shared>>)
      tpu.yield
    }) : () -> ()
    "tpu.region"() ({
      %run_scoped3A_88 = tpu.sem_alloc : memref<!tpu.dma_semaphore, #tpu.memory_space<semaphore_mem>>
      %dma_start3A_89 = arith.constant 0 : i32
      %dma_start3A_90 = tpu.memref_slice %arg8[%dma_start3A_89] : memref<10240xf32, #tpu.memory_space<vmem_shared>> -> memref<10240xf32, #tpu.memory_space<vmem_shared>>
      tpu.enqueue_indirect_dma source(%arg15 : memref<80xf32, #tpu.memory_space<vmem>>) target(%dma_start3A_90 : memref<10240xf32, #tpu.memory_space<vmem_shared>>) offsets(%arg10 : memref<80xi32, #tpu.memory_space<vmem>>) semaphore(%run_scoped3A_88 : memref<!tpu.dma_semaphore, #tpu.memory_space<semaphore_mem>>) {add = true}
      %dma_wait3A_91 = arith.constant 0 : i32
      %dma_wait3A_92 = tpu.memref_slice %arg8[%dma_wait3A_91] : memref<10240xf32, #tpu.memory_space<vmem_shared>> -> memref<10240xf32, #tpu.memory_space<vmem_shared>>
      tpu.wait_indirect_dma semaphore(%run_scoped3A_88 : memref<!tpu.dma_semaphore, #tpu.memory_space<semaphore_mem>>) src(%arg15 : memref<80xf32, #tpu.memory_space<vmem>>) dst(%dma_wait3A_92 : memref<10240xf32, #tpu.memory_space<vmem_shared>>)
      tpu.yield
    }) : () -> ()
    %barrier3A_79 = arith.constant 0 : index
    tpu.barrier barrier_id(%barrier3A_79)
    %mul3A_80 = arith.constant 640 : i32
    %mul3A_81 = arith.muli %arg1, %mul3A_80 : i32
    %mul3A_82 = arith.constant 640 : i32
    %mul3A_83 = arith.muli %arg1, %mul3A_82 : i32
    "tpu.region"() ({
      %run_scoped3A_88 = tpu.sem_alloc : memref<!tpu.dma_semaphore, #tpu.memory_space<semaphore_mem>>
      %dma_start3A_89 = arith.constant 0 : i32
      %dma_start3A_90 = tpu.memref_slice %arg5[%arg0, %mul3A_83, %dma_start3A_89] : memref<2x10240x128xf32, #tpu.memory_space<hbm>> -> memref<1x640x128xf32, #tpu.memory_space<hbm>>
      %dma_start3A_91 = tpu.memref_squeeze %dma_start3A_90 : memref<1x640x128xf32, #tpu.memory_space<hbm>> -> memref<640x128xf32, #tpu.memory_space<hbm>>
      %dma_start3A_92 = arith.constant 0 : i32
      %dma_start3A_93 = tpu.memref_slice %arg7[%mul3A_81, %dma_start3A_92] : memref<10240x128xf32, #tpu.memory_space<vmem_shared>> -> memref<640x128xf32, #tpu.memory_space<vmem_shared>>
      tpu.enqueue_dma source(%dma_start3A_93 : memref<640x128xf32, #tpu.memory_space<vmem_shared>>) target(%dma_start3A_91 : memref<640x128xf32, #tpu.memory_space<hbm>>) target_semaphore(%run_scoped3A_88 : memref<!tpu.dma_semaphore, #tpu.memory_space<semaphore_mem>>)
      %dma_wait3A_94 = arith.constant 0 : i32
      %dma_wait3A_95 = tpu.memref_slice %arg5[%arg0, %mul3A_83, %dma_wait3A_94] : memref<2x10240x128xf32, #tpu.memory_space<hbm>> -> memref<1x640x128xf32, #tpu.memory_space<hbm>>
      %dma_wait3A_96 = tpu.memref_squeeze %dma_wait3A_95 : memref<1x640x128xf32, #tpu.memory_space<hbm>> -> memref<640x128xf32, #tpu.memory_space<hbm>>
      %dma_wait3A_97 = arith.constant 0 : i32
      %dma_wait3A_98 = tpu.memref_slice %arg7[%mul3A_81, %dma_wait3A_97] : memref<10240x128xf32, #tpu.memory_space<vmem_shared>> -> memref<640x128xf32, #tpu.memory_space<vmem_shared>>
      tpu.wait_dma2 semaphore(%run_scoped3A_88 : memref<!tpu.dma_semaphore, #tpu.memory_space<semaphore_mem>>) src(%dma_wait3A_98 : memref<640x128xf32, #tpu.memory_space<vmem_shared>>) dst(%dma_wait3A_96 : memref<640x128xf32, #tpu.memory_space<hbm>>)
      tpu.yield
    }) : () -> ()
    %mul3A_84 = arith.constant 640 : i32
    %mul3A_85 = arith.muli %arg1, %mul3A_84 : i32
    %mul3A_86 = arith.constant 640 : i32
    %mul3A_87 = arith.muli %arg1, %mul3A_86 : i32
    "tpu.region"() ({
      %run_scoped3A_88 = tpu.sem_alloc : memref<!tpu.dma_semaphore, #tpu.memory_space<semaphore_mem>>
      %dma_start3A_89 = tpu.memref_slice %arg6[%arg0, %mul3A_87] : memref<2x10240xf32, #tpu.memory_space<hbm>> -> memref<1x640xf32, #tpu.memory_space<hbm>>
      %dma_start3A_90 = tpu.memref_squeeze %dma_start3A_89 : memref<1x640xf32, #tpu.memory_space<hbm>> -> memref<640xf32, #tpu.memory_space<hbm>>
      %dma_start3A_91 = tpu.memref_slice %arg8[%mul3A_85] : memref<10240xf32, #tpu.memory_space<vmem_shared>> -> memref<640xf32, #tpu.memory_space<vmem_shared>>
      tpu.enqueue_dma source(%dma_start3A_91 : memref<640xf32, #tpu.memory_space<vmem_shared>>) target(%dma_start3A_90 : memref<640xf32, #tpu.memory_space<hbm>>) target_semaphore(%run_scoped3A_88 : memref<!tpu.dma_semaphore, #tpu.memory_space<semaphore_mem>>)
      %dma_wait3A_92 = tpu.memref_slice %arg6[%arg0, %mul3A_87] : memref<2x10240xf32, #tpu.memory_space<hbm>> -> memref<1x640xf32, #tpu.memory_space<hbm>>
      %dma_wait3A_93 = tpu.memref_squeeze %dma_wait3A_92 : memref<1x640xf32, #tpu.memory_space<hbm>> -> memref<640xf32, #tpu.memory_space<hbm>>
      %dma_wait3A_94 = tpu.memref_slice %arg8[%mul3A_85] : memref<10240xf32, #tpu.memory_space<vmem_shared>> -> memref<640xf32, #tpu.memory_space<vmem_shared>>
      tpu.wait_dma2 semaphore(%run_scoped3A_88 : memref<!tpu.dma_semaphore, #tpu.memory_space<semaphore_mem>>) src(%dma_wait3A_94 : memref<640xf32, #tpu.memory_space<vmem_shared>>) dst(%dma_wait3A_93 : memref<640xf32, #tpu.memory_space<hbm>>)
      tpu.yield
    }) : () -> ()
    return
  }
}

module attributes {stable_mosaic.version = 14 : i64} {
  func.func @_mid_body(%arg0: i32, %arg1: memref<1024x128xf32, #tpu.memory_space<vmem>>, %arg2: memref<2x1024x128xf32, #tpu.memory_space<vmem>>, %arg3: memref<2x10240xf32, #tpu.memory_space<vmem>>, %arg4: memref<128x128xf32, #tpu.memory_space<vmem>>, %arg5: memref<1x128xf32, #tpu.memory_space<vmem>>, %arg6: memref<1024x128xf32, #tpu.memory_space<vmem>>) attributes {dimension_semantics = [#tpu.dimension_semantics<arbitrary>], iteration_bounds = array<i64: 10>, scalar_prefetch = 0 : i64, scratch_operands = 0 : i64, tpu.core_type = #tpu.core_type<tc>, window_params = [{transform_indices = @transform_0, window_bounds = array<i64: 1024, 128>}, {transform_indices = @transform_1, window_bounds = array<i64: 2, 1024, 128>}, {pipeline_mode = #tpu.pipeline_mode<synchronous>, transform_indices = @transform_2, window_bounds = array<i64: 2, 10240>}, {pipeline_mode = #tpu.pipeline_mode<synchronous>, transform_indices = @transform_3, window_bounds = array<i64: 128, 128>}, {pipeline_mode = #tpu.pipeline_mode<synchronous>, transform_indices = @transform_4, window_bounds = array<i64: 1, 128>}, {transform_indices = @transform_5, window_bounds = array<i64: 1024, 128>}]} {
    %get3A = arith.constant 0 : index
    %get3A_0 = arith.constant 0 : index
    %get3A_1 = vector.load %arg1[%get3A, %get3A_0] : memref<1024x128xf32, #tpu.memory_space<vmem>>, vector<1024x128xf32>
    %get3A_2 = arith.constant 0 : index
    %get3A_3 = arith.constant 0 : index
    %get3A_4 = arith.constant 0 : index
    %get3A_5 = vector.load %arg2[%get3A_2, %get3A_3, %get3A_4] : memref<2x1024x128xf32, #tpu.memory_space<vmem>>, vector<1x1024x128xf32>
    %get3A_6 = vector.shape_cast %get3A_5 : vector<1x1024x128xf32> to vector<1024x128xf32>
    %get3A_7 = arith.constant 1 : index
    %get3A_8 = arith.constant 0 : index
    %get3A_9 = arith.constant 0 : index
    %get3A_10 = vector.load %arg2[%get3A_7, %get3A_8, %get3A_9] : memref<2x1024x128xf32, #tpu.memory_space<vmem>>, vector<1x1024x128xf32>
    %get3A_11 = vector.shape_cast %get3A_10 : vector<1x1024x128xf32> to vector<1024x128xf32>
    %add3A = arith.addf %get3A_6, %get3A_11 : vector<1024x128xf32>
    %mul3A = arith.constant 1024 : i32
    %mul3A_12 = arith.muli %arg0, %mul3A : i32
    %get3A_13 = arith.constant 0 : index
    %get3A_14 = arith.index_cast %mul3A_12 : i32 to index
    %get3A_15 = vector.load %arg3[%get3A_13, %get3A_14] : memref<2x10240xf32, #tpu.memory_space<vmem>>, vector<2x1024xf32>
    %reduce_sum3A = arith.constant dense<0.000000e+00> : vector<1024xf32>
    %reduce_sum3A_16 = vector.multi_reduction <add>, %get3A_15, %reduce_sum3A [0] : vector<2x1024xf32> to vector<1024xf32>
    %max3A = arith.constant 1.000000e+00 : f32
    %max3A_17 = vector.broadcast %max3A : f32 to vector<1024xf32>
    %max3A_18 = arith.maximumf %reduce_sum3A_16, %max3A_17 : vector<1024xf32>
    %broadcast_in_dim3A = vector.shape_cast %max3A_18 : vector<1024xf32> to vector<1024x1xf32>
    %div3A = vector.broadcast %broadcast_in_dim3A : vector<1024x1xf32> to vector<1024x128xf32>
    %div3A_19 = arith.divf %add3A, %div3A : vector<1024x128xf32>
    %add3A_20 = arith.addf %get3A_1, %div3A_19 : vector<1024x128xf32>
    %max3A_21 = arith.constant 0.000000e+00 : f32
    %max3A_22 = vector.broadcast %max3A_21 : f32 to vector<1024x128xf32>
    %max3A_23 = arith.maximumf %add3A_20, %max3A_22 : vector<1024x128xf32>
    %mul3A_24 = arith.mulf %max3A_23, %max3A_23 : vector<1024x128xf32>
    %reduce_sum3A_25 = arith.constant dense<0.000000e+00> : vector<1024xf32>
    %reduce_sum3A_26 = vector.multi_reduction <add>, %mul3A_24, %reduce_sum3A_25 [1] : vector<1024x128xf32> to vector<1024xf32>
    %broadcast_in_dim3A_27 = vector.shape_cast %reduce_sum3A_26 : vector<1024xf32> to vector<1024x1xf32>
    %sqrt3A = math.sqrt %broadcast_in_dim3A_27 : vector<1024x1xf32>
    %add3A_28 = arith.constant 1.000000e-07 : f32
    %add3A_29 = vector.broadcast %add3A_28 : f32 to vector<1024x1xf32>
    %add3A_30 = arith.addf %sqrt3A, %add3A_29 : vector<1024x1xf32>
    %div3A_31 = vector.broadcast %add3A_30 : vector<1024x1xf32> to vector<1024x128xf32>
    %div3A_32 = arith.divf %max3A_23, %div3A_31 : vector<1024x128xf32>
    %get3A_33 = arith.constant 0 : index
    %get3A_34 = arith.constant 0 : index
    %get3A_35 = vector.load %arg4[%get3A_33, %get3A_34] : memref<128x128xf32, #tpu.memory_space<vmem>>, vector<128x128xf32>
    %dot_general3A = arith.constant dense<0.000000e+00> : vector<1024x128xf32>
    %dot_general3A_36 = tpu.matmul %div3A_32, %get3A_35, %dot_general3A {dimension_numbers = #tpu.dot_dimension_numbers<[1], [0], [0], [1], [0, 0, 1, 1], [], []>, transpose_lhs_hint = false} : vector<1024x128xf32>, vector<128x128xf32>, vector<1024x128xf32> -> vector<1024x128xf32>
    %get3A_37 = arith.constant 0 : index
    %get3A_38 = arith.constant 0 : index
    %get3A_39 = vector.load %arg5[%get3A_37, %get3A_38] : memref<1x128xf32, #tpu.memory_space<vmem>>, vector<1x128xf32>
    %add3A_40 = vector.broadcast %get3A_39 : vector<1x128xf32> to vector<1024x128xf32>
    %add3A_41 = arith.addf %dot_general3A_36, %add3A_40 : vector<1024x128xf32>
    %swap3A = arith.constant 0 : index
    %swap3A_42 = arith.constant 0 : index
    %swap3A_43 = vector.load %arg6[%swap3A, %swap3A_42] : memref<1024x128xf32, #tpu.memory_space<vmem>>, vector<1024x128xf32>
    tpu.vector_store %arg6[%swap3A, %swap3A_42], %add3A_41 {strides = array<i32>} : memref<1024x128xf32, #tpu.memory_space<vmem>>, vector<1024x128xf32>,
    return
  }
  func.func @transform_0(%arg0: i32) -> (i32, i32) {
    %c0_i32 = arith.constant 0 : i32
    %c0_i32_0 = arith.constant 0 : i32
    return %arg0, %c0_i32 : i32, i32
  }
  func.func @transform_1(%arg0: i32) -> (i32, i32, i32) {
    %c0_i32 = arith.constant 0 : i32
    %c0_i32_0 = arith.constant 0 : i32
    %c0_i32_1 = arith.constant 0 : i32
    return %c0_i32, %arg0, %c0_i32_0 : i32, i32, i32
  }
  func.func @transform_2(%arg0: i32) -> (i32, i32) {
    %c0_i32 = arith.constant 0 : i32
    %c0_i32_0 = arith.constant 0 : i32
    %c0_i32_1 = arith.constant 0 : i32
    return %c0_i32, %c0_i32_0 : i32, i32
  }
  func.func @transform_3(%arg0: i32) -> (i32, i32) {
    %c0_i32 = arith.constant 0 : i32
    %c0_i32_0 = arith.constant 0 : i32
    %c0_i32_1 = arith.constant 0 : i32
    return %c0_i32, %c0_i32_0 : i32, i32
  }
  func.func @transform_4(%arg0: i32) -> (i32, i32) {
    %c0_i32 = arith.constant 0 : i32
    %c0_i32_0 = arith.constant 0 : i32
    %c0_i32_1 = arith.constant 0 : i32
    return %c0_i32, %c0_i32_0 : i32, i32
  }
  func.func @transform_5(%arg0: i32) -> (i32, i32) {
    %c0_i32 = arith.constant 0 : i32
    %c0_i32_0 = arith.constant 0 : i32
    return %arg0, %c0_i32 : i32, i32
  }
}

module attributes {stable_mosaic.version = 14 : i64} {
  func.func @_pre_body(%arg0: i32, %arg1: memref<1024x128xf32, #tpu.memory_space<vmem>>, %arg2: memref<128x128xf32, #tpu.memory_space<vmem>>, %arg3: memref<1x128xf32, #tpu.memory_space<vmem>>, %arg4: memref<1024x128xf32, #tpu.memory_space<vmem>>) attributes {dimension_semantics = [#tpu.dimension_semantics<arbitrary>], iteration_bounds = array<i64: 10>, scalar_prefetch = 0 : i64, scratch_operands = 0 : i64, tpu.core_type = #tpu.core_type<tc>, window_params = [{transform_indices = @transform_0, window_bounds = array<i64: 1024, 128>}, {pipeline_mode = #tpu.pipeline_mode<synchronous>, transform_indices = @transform_1, window_bounds = array<i64: 128, 128>}, {pipeline_mode = #tpu.pipeline_mode<synchronous>, transform_indices = @transform_2, window_bounds = array<i64: 1, 128>}, {transform_indices = @transform_3, window_bounds = array<i64: 1024, 128>}]} {
    %get3A = arith.constant 0 : index
    %get3A_0 = arith.constant 0 : index
    %get3A_1 = vector.load %arg1[%get3A, %get3A_0] : memref<1024x128xf32, #tpu.memory_space<vmem>>, vector<1024x128xf32>
    %mul3A = arith.mulf %get3A_1, %get3A_1 : vector<1024x128xf32>
    %reduce_sum3A = arith.constant dense<0.000000e+00> : vector<1024xf32>
    %reduce_sum3A_2 = vector.multi_reduction <add>, %mul3A, %reduce_sum3A [1] : vector<1024x128xf32> to vector<1024xf32>
    %broadcast_in_dim3A = vector.shape_cast %reduce_sum3A_2 : vector<1024xf32> to vector<1024x1xf32>
    %sqrt3A = math.sqrt %broadcast_in_dim3A : vector<1024x1xf32>
    %max3A = arith.constant 1.000000e-07 : f32
    %max3A_3 = vector.broadcast %max3A : f32 to vector<1024x1xf32>
    %max3A_4 = arith.maximumf %sqrt3A, %max3A_3 : vector<1024x1xf32>
    %broadcast_in_dim3A_5 = arith.constant 1.000000e+00 : f32
    %broadcast_in_dim3A_6 = vector.broadcast %broadcast_in_dim3A_5 : f32 to vector<1024x1xf32>
    %atan23A = math.atan2 %max3A_4, %broadcast_in_dim3A_6 : vector<1024x1xf32>
    %div3A = arith.divf %atan23A, %max3A_4 : vector<1024x1xf32>
    %mul3A_7 = vector.broadcast %div3A : vector<1024x1xf32> to vector<1024x128xf32>
    %mul3A_8 = arith.mulf %mul3A_7, %get3A_1 : vector<1024x128xf32>
    %get3A_9 = arith.constant 0 : index
    %get3A_10 = arith.constant 0 : index
    %get3A_11 = vector.load %arg2[%get3A_9, %get3A_10] : memref<128x128xf32, #tpu.memory_space<vmem>>, vector<128x128xf32>
    %dot_general3A = arith.constant dense<0.000000e+00> : vector<1024x128xf32>
    %dot_general3A_12 = tpu.matmul %mul3A_8, %get3A_11, %dot_general3A {dimension_numbers = #tpu.dot_dimension_numbers<[1], [0], [0], [1], [0, 0, 1, 1], [], []>, transpose_lhs_hint = false} : vector<1024x128xf32>, vector<128x128xf32>, vector<1024x128xf32> -> vector<1024x128xf32>
    %get3A_13 = arith.constant 0 : index
    %get3A_14 = arith.constant 0 : index
    %get3A_15 = vector.load %arg3[%get3A_13, %get3A_14] : memref<1x128xf32, #tpu.memory_space<vmem>>, vector<1x128xf32>
    %add3A = vector.broadcast %get3A_15 : vector<1x128xf32> to vector<1024x128xf32>
    %add3A_16 = arith.addf %dot_general3A_12, %add3A : vector<1024x128xf32>
    %swap3A = arith.constant 0 : index
    %swap3A_17 = arith.constant 0 : index
    %swap3A_18 = vector.load %arg4[%swap3A, %swap3A_17] : memref<1024x128xf32, #tpu.memory_space<vmem>>, vector<1024x128xf32>
    tpu.vector_store %arg4[%swap3A, %swap3A_17], %add3A_16 {strides = array<i32>} : memref<1024x128xf32, #tpu.memory_space<vmem>>, vector<1024x128xf32>,
    return
  }
  func.func @transform_0(%arg0: i32) -> (i32, i32) {
    %c0_i32 = arith.constant 0 : i32
    %c0_i32_0 = arith.constant 0 : i32
    return %arg0, %c0_i32 : i32, i32
  }
  func.func @transform_1(%arg0: i32) -> (i32, i32) {
    %c0_i32 = arith.constant 0 : i32
    %c0_i32_0 = arith.constant 0 : i32
    %c0_i32_1 = arith.constant 0 : i32
    return %c0_i32, %c0_i32_0 : i32, i32
  }
  func.func @transform_2(%arg0: i32) -> (i32, i32) {
    %c0_i32 = arith.constant 0 : i32
    %c0_i32_0 = arith.constant 0 : i32
    %c0_i32_1 = arith.constant 0 : i32
    return %c0_i32, %c0_i32_0 : i32, i32
  }
  func.func @transform_3(%arg0: i32) -> (i32, i32) {
    %c0_i32 = arith.constant 0 : i32
    %c0_i32_0 = arith.constant 0 : i32
    return %arg0, %c0_i32 : i32, i32
  }
}

module attributes {stable_mosaic.version = 14 : i64} {
  func.func @_post_body(%arg0: i32, %arg1: memref<1024x128xf32, #tpu.memory_space<vmem>>, %arg2: memref<2x1024x128xf32, #tpu.memory_space<vmem>>, %arg3: memref<2x10240xf32, #tpu.memory_space<vmem>>, %arg4: memref<1024x128xf32, #tpu.memory_space<vmem>>) attributes {dimension_semantics = [#tpu.dimension_semantics<arbitrary>], iteration_bounds = array<i64: 10>, scalar_prefetch = 0 : i64, scratch_operands = 0 : i64, tpu.core_type = #tpu.core_type<tc>, window_params = [{transform_indices = @transform_0, window_bounds = array<i64: 1024, 128>}, {transform_indices = @transform_1, window_bounds = array<i64: 2, 1024, 128>}, {pipeline_mode = #tpu.pipeline_mode<synchronous>, transform_indices = @transform_2, window_bounds = array<i64: 2, 10240>}, {transform_indices = @transform_3, window_bounds = array<i64: 1024, 128>}]} {
    %get3A = arith.constant 0 : index
    %get3A_0 = arith.constant 0 : index
    %get3A_1 = vector.load %arg1[%get3A, %get3A_0] : memref<1024x128xf32, #tpu.memory_space<vmem>>, vector<1024x128xf32>
    %get3A_2 = arith.constant 0 : index
    %get3A_3 = arith.constant 0 : index
    %get3A_4 = arith.constant 0 : index
    %get3A_5 = vector.load %arg2[%get3A_2, %get3A_3, %get3A_4] : memref<2x1024x128xf32, #tpu.memory_space<vmem>>, vector<1x1024x128xf32>
    %get3A_6 = vector.shape_cast %get3A_5 : vector<1x1024x128xf32> to vector<1024x128xf32>
    %get3A_7 = arith.constant 1 : index
    %get3A_8 = arith.constant 0 : index
    %get3A_9 = arith.constant 0 : index
    %get3A_10 = vector.load %arg2[%get3A_7, %get3A_8, %get3A_9] : memref<2x1024x128xf32, #tpu.memory_space<vmem>>, vector<1x1024x128xf32>
    %get3A_11 = vector.shape_cast %get3A_10 : vector<1x1024x128xf32> to vector<1024x128xf32>
    %add3A = arith.addf %get3A_6, %get3A_11 : vector<1024x128xf32>
    %mul3A = arith.constant 1024 : i32
    %mul3A_12 = arith.muli %arg0, %mul3A : i32
    %get3A_13 = arith.constant 0 : index
    %get3A_14 = arith.index_cast %mul3A_12 : i32 to index
    %get3A_15 = vector.load %arg3[%get3A_13, %get3A_14] : memref<2x10240xf32, #tpu.memory_space<vmem>>, vector<2x1024xf32>
    %reduce_sum3A = arith.constant dense<0.000000e+00> : vector<1024xf32>
    %reduce_sum3A_16 = vector.multi_reduction <add>, %get3A_15, %reduce_sum3A [0] : vector<2x1024xf32> to vector<1024xf32>
    %max3A = arith.constant 1.000000e+00 : f32
    %max3A_17 = vector.broadcast %max3A : f32 to vector<1024xf32>
    %max3A_18 = arith.maximumf %reduce_sum3A_16, %max3A_17 : vector<1024xf32>
    %broadcast_in_dim3A = vector.shape_cast %max3A_18 : vector<1024xf32> to vector<1024x1xf32>
    %div3A = vector.broadcast %broadcast_in_dim3A : vector<1024x1xf32> to vector<1024x128xf32>
    %div3A_19 = arith.divf %add3A, %div3A : vector<1024x128xf32>
    %add3A_20 = arith.addf %get3A_1, %div3A_19 : vector<1024x128xf32>
    %max3A_21 = arith.constant 0.000000e+00 : f32
    %max3A_22 = vector.broadcast %max3A_21 : f32 to vector<1024x128xf32>
    %max3A_23 = arith.maximumf %add3A_20, %max3A_22 : vector<1024x128xf32>
    %mul3A_24 = arith.mulf %max3A_23, %max3A_23 : vector<1024x128xf32>
    %reduce_sum3A_25 = arith.constant dense<0.000000e+00> : vector<1024xf32>
    %reduce_sum3A_26 = vector.multi_reduction <add>, %mul3A_24, %reduce_sum3A_25 [1] : vector<1024x128xf32> to vector<1024xf32>
    %broadcast_in_dim3A_27 = vector.shape_cast %reduce_sum3A_26 : vector<1024xf32> to vector<1024x1xf32>
    %sqrt3A = math.sqrt %broadcast_in_dim3A_27 : vector<1024x1xf32>
    %add3A_28 = arith.constant 1.000000e-07 : f32
    %add3A_29 = vector.broadcast %add3A_28 : f32 to vector<1024x1xf32>
    %add3A_30 = arith.addf %sqrt3A, %add3A_29 : vector<1024x1xf32>
    %div3A_31 = vector.broadcast %add3A_30 : vector<1024x1xf32> to vector<1024x128xf32>
    %div3A_32 = arith.divf %max3A_23, %div3A_31 : vector<1024x128xf32>
    %mul3A_33 = arith.mulf %div3A_32, %div3A_32 : vector<1024x128xf32>
    %reduce_sum3A_34 = arith.constant dense<0.000000e+00> : vector<1024xf32>
    %reduce_sum3A_35 = vector.multi_reduction <add>, %mul3A_33, %reduce_sum3A_34 [1] : vector<1024x128xf32> to vector<1024xf32>
    %broadcast_in_dim3A_36 = vector.shape_cast %reduce_sum3A_35 : vector<1024xf32> to vector<1024x1xf32>
    %sqrt3A_37 = math.sqrt %broadcast_in_dim3A_36 : vector<1024x1xf32>
    %max3A_38 = arith.constant 1.000000e-07 : f32
    %max3A_39 = vector.broadcast %max3A_38 : f32 to vector<1024x1xf32>
    %max3A_40 = arith.maximumf %sqrt3A_37, %max3A_39 : vector<1024x1xf32>
    %jit3A = arith.constant 0.000000e+00 : f32
    %jit3A_41 = arith.constant 1.500000e+00 : f32
    %max3A_42 = vector.broadcast %jit3A : f32 to vector<1024x1xf32>
    %max3A_43 = arith.maximumf %max3A_42, %max3A_40 : vector<1024x1xf32>
    %min3A = vector.broadcast %jit3A_41 : f32 to vector<1024x1xf32>
    %min3A_44 = arith.minimumf %min3A, %max3A_43 : vector<1024x1xf32>
    %tan3A = math.tan %min3A_44 : vector<1024x1xf32>
    %div3A_45 = arith.divf %tan3A, %max3A_40 : vector<1024x1xf32>
    %mul3A_46 = vector.broadcast %div3A_45 : vector<1024x1xf32> to vector<1024x128xf32>
    %mul3A_47 = arith.mulf %mul3A_46, %div3A_32 : vector<1024x128xf32>
    %swap3A = arith.constant 0 : index
    %swap3A_48 = arith.constant 0 : index
    %swap3A_49 = vector.load %arg4[%swap3A, %swap3A_48] : memref<1024x128xf32, #tpu.memory_space<vmem>>, vector<1024x128xf32>
    tpu.vector_store %arg4[%swap3A, %swap3A_48], %mul3A_47 {strides = array<i32>} : memref<1024x128xf32, #tpu.memory_space<vmem>>, vector<1024x128xf32>,
    return
  }
  func.func @transform_0(%arg0: i32) -> (i32, i32) {
    %c0_i32 = arith.constant 0 : i32
    %c0_i32_0 = arith.constant 0 : i32
    return %arg0, %c0_i32 : i32, i32
  }
  func.func @transform_1(%arg0: i32) -> (i32, i32, i32) {
    %c0_i32 = arith.constant 0 : i32
    %c0_i32_0 = arith.constant 0 : i32
    %c0_i32_1 = arith.constant 0 : i32
    return %c0_i32, %arg0, %c0_i32_0 : i32, i32, i32
  }
  func.func @transform_2(%arg0: i32) -> (i32, i32) {
    %c0_i32 = arith.constant 0 : i32
    %c0_i32_0 = arith.constant 0 : i32
    %c0_i32_1 = arith.constant 0 : i32
    return %c0_i32, %c0_i32_0 : i32, i32
  }
  func.func @transform_3(%arg0: i32) -> (i32, i32) {
    %c0_i32 = arith.constant 0 : i32
    %c0_i32_0 = arith.constant 0 : i32
    return %arg0, %c0_i32 : i32, i32
  }
}

</mosaic_0001>

<sc_bundles>
// kernel: kernel.10.cloned.1.call-start
scs
__scs_entry_jumppad:
0x0: {  	(pc) =	sbr.rel $0x88, $3  }
0x1: {  	(tag) =	ssettag $0x0;
	lr =	simm.s32 $0x1  }
0x2: {  	[smem:$0x3F9B] =	sst lr;
	_ =	strace $0xD0000000  }
0x3: {  	_ = 	snop  }
0x4: {  	_ = 	snop  }
0x5: {  	_ = 	snop  }
0x6: {  	_ = 	snop  }
0x7: {  	_ = 	snop  }
__scs_overlays_trampoline_lowered:
0x8: {  	[smem:$0x3FAA] =	sst s0  }
0x9: {  	[smem:$0x3FAB] =	sst s1  }
0xa: {  	[smem:$0x3FAC] =	sst s2  }
0xb: {  	[smem:$0x3FAD] =	sst s3  }
0xc: {  	[smem:$0x3FAE] =	sst s4  }
0xd: {  	[smem:$0x3FAF] =	sst s5  }
0xe: {  	[smem:$0x3FB0] =	sst s6  }
0xf: {  	[smem:$0x3FB1] =	sst s7  }
0x10: {  	[smem:$0x3FB2] =	sst s8  }
0x11: {  	[smem:$0x3FB3] =	sst s9;
	s0 =	simm.s32 @!p0 $0x0  }
0x12: {  	s1 =	sld [smem:$0x3F99];
	s0 =	simm.s32 @p0 $0x1  }
0x13: {  	[smem:$0x3FB4] =	sst s0;
	s0 =	simm.s32 @!p1 $0x0  }
0x14: {  	s2 =	sld [smem:$0x3F98];
	s0 =	simm.s32 @p1 $0x1  }
0x15: {  	[smem:$0x3FB5] =	sst s0;
	s0 =	simm.s32 @!p2 $0x0  }
0x16: {  	s3 =	sld [smem:$0x3FDB];
	s0 =	simm.s32 @p2 $0x1  }
0x17: {  	s4 =	simm.s32 $0x1BF5;
	[smem:$0x3FB7] =	sst s0  }
0x18: {  	s0 =	sld [smem:$0x3F9A];
	_ =	swait.ge [sflag:s4], $0x0  }
0x19: {  	s7 =	sld [smem:$0x3F9B]  }
0x1a: {  	s8 =	sadd.s32 $0xFFFFE003, lr  }
0x1b: {  	s9 =	sadd.s32 $0xFFFFFEF7, lr;
	s5 =	simm.s32 $0xFFFFFFFF;
	p2 =	slt.u32 s8, $0xFFFFF086  }
0x1c: {  	p1 =	slt.u32 s9, $0xF7A;
	s5 =	simm.s32 @!p2 $0x0  }
0x1d: {  	s5 =	simm.s32 @p1 $0x1;
	p0 =	seq.s32 s7, s2  }
0x1e: {  	s7 =	smul.u32 @!p0 $0xF7A, s2;
	p2 =	seq.s32 @!p0 s5, $0x0  }
0x1f: {  	s9 =	smul.u32 $0xF7A, s1;
	s8 =	simm.s32 @!p0 $0x1BF5;
	p2 =	por !p2, p0  }
0x20: {  	[sflag:s8] =	ssyncset.s32 @!p0 $0xFFFFF086;
	s6 =	sadd.s32 @!p0 s3, s7;
	s7 =	simm.s32 @!p0 $0x108  }
0x21: {  	s3 =	sadd.s32 s3, s9;
	s6 =	sadd.s32 @!p0 $0x88, s6;
	s7 =	simm.s32 @p2 $0x1082  }
0x22: {  	[simem:s7], [sflag:s8] =	dma.local @!p0 [hbm:s6], $0xF7A  }
0x23: {  	s9 =	sor.u32 $0xD0000000, s2;
	s6 =	simm.s32 $0x108;
	_ =	swait.ge @!p0 [sflag:s8], $0x0  }
0x24: {  	s3 =	sadd.s32 $0x88, s3;
	s6 =	simm.s32 @!p1 $0x1082;
	[sflag:s4] =	ssyncset.s32 $0xFFFFF086  }
0x25: {  	[simem:s6], [sflag:s4] =	dma.local [hbm:s3], $0xF7A  }
0x26: {  	[smem:$0x3F9B] =	sst s1;
	(tag) =	ssettag s2;
	_ =	strace s9  }
0x27: {  	s1 =	sld [smem:$0x3FAB]  }
0x28: {  	s2 =	sld [smem:$0x3FAC]  }
0x29: {  	s4 =	sld [smem:$0x3FAE]  }
0x2a: {  	p0 =	seq.s32 s5, $0x0;
	s5 =	sld [smem:$0x3FAF]  }
0x2b: {  	s6 =	sld [smem:$0x3FB0]  }
0x2c: {  	s7 =	sld [smem:$0x3FB1]  }
0x2d: {  	s3 =	simm.s32 $0x108;
	s8 =	sld [smem:$0x3FB2]  }
0x2e: {  	s3 =	simm.s32 @!p0 $0x1082;
	s9 =	sld [smem:$0x3FB3]  }
0x2f: {  	lr =	sadd.s32 s0, s3;
	s0 =	sld [smem:$0x3FAA]  }
0x30: {  	s3 =	sld [smem:$0x3FAD]  }
0x31: {  	[smem:$0x3FB6] =	sst s10  }
0x32: {  	s10 =	sld [smem:$0x3FB4];
	_ =	sdelay $0x3  }
0x33: {  	p0 =	seq.s32 s10, $0x1;
	s10 =	sld [smem:$0x3FB6];
	_ =	sdelay $0x3  }
0x34: {  	[smem:$0x3FB6] =	sst s10  }
0x35: {  	s10 =	sld [smem:$0x3FB5];
	_ =	sdelay $0x3  }
0x36: {  	p1 =	seq.s32 s10, $0x1;
	s10 =	sld [smem:$0x3FB6];
	_ =	sdelay $0x3  }
0x37: {  	[smem:$0x3FB6] =	sst s10  }
0x38: {  	s10 =	sld [smem:$0x3FB7]  }
0x39: {  	_ = 	snop;
	(pc) =	sbr.ind lr, $3  }
0x3a: {  	_ = 	snop  }
0x3b: {  	_ = 	snop  }
0x3c: {  	p2 =	seq.s32 s10, $0x1;
	s10 =	sld [smem:$0x3FB6]  }
0x3d: {  	_ =	shalt  }
0x3e: {  	_ =	shalt  }
0x3f: {  	_ =	shalt  }
0x40: {  	_ =	shalt  }
0x41: {  	_ =	shalt  }
0x42: {  	_ =	shalt  }
0x43: {  	_ =	shalt  }
0x44: {  	_ =	shalt  }
0x45: {  	_ =	shalt  }
0x46: {  	_ =	shalt  }
0x47: {  	_ =	shalt  }
0x48: {  	_ =	shalt  }
0x49: {  	_ =	shalt  }
0x4a: {  	_ =	shalt  }
0x4b: {  	_ =	shalt  }
0x4c: {  	_ =	shalt  }
0x4d: {  	_ =	shalt  }
0x4e: {  	_ =	shalt  }
0x4f: {  	_ =	shalt  }
0x50: {  	_ =	shalt  }
0x51: {  	_ =	shalt  }
0x52: {  	_ =	shalt  }
0x53: {  	_ =	shalt  }
0x54: {  	_ =	shalt  }
0x55: {  	_ =	shalt  }
0x56: {  	_ =	shalt  }
0x57: {  	_ =	shalt  }
0x58: {  	_ =	shalt  }
0x59: {  	_ =	shalt  }
0x5a: {  	_ =	shalt  }
0x5b: {  	_ =	shalt  }
0x5c: {  	_ =	shalt  }
0x5d: {  	_ =	shalt  }
0x5e: {  	_ =	shalt  }
0x5f: {  	_ =	shalt  }
0x60: {  	_ =	shalt  }
0x61: {  	_ =	shalt  }
0x62: {  	_ =	shalt  }
0x63: {  	_ =	shalt  }
0x64: {  	_ =	shalt  }
0x65: {  	_ =	shalt  }
0x66: {  	_ =	shalt  }
0x67: {  	_ =	shalt  }
0x68: {  	_ =	shalt  }
0x69: {  	_ =	shalt  }
0x6a: {  	_ =	shalt  }
0x6b: {  	_ =	shalt  }
0x6c: {  	_ =	shalt  }
0x6d: {  	_ =	shalt  }
0x6e: {  	_ =	shalt  }
0x6f: {  	_ =	shalt  }
0x70: {  	_ =	shalt  }
0x71: {  	_ =	shalt  }
0x72: {  	_ =	shalt  }
0x73: {  	_ =	shalt  }
0x74: {  	_ =	shalt  }
0x75: {  	_ =	shalt  }
0x76: {  	_ =	shalt  }
0x77: {  	_ =	shalt  }
0x78: {  	_ =	shalt  }
0x79: {  	_ =	shalt  }
0x7a: {  	_ =	shalt  }
0x7b: {  	_ =	shalt  }
0x7c: {  	_ =	shalt  }
0x7d: {  	_ =	shalt  }
0x7e: {  	_ =	shalt  }
0x7f: {  	_ =	shalt  }
0x80: {  	_ =	shalt  }
0x81: {  	_ =	shalt  }
0x82: {  	_ =	shalt  }
0x83: {  	_ =	shalt  }
0x84: {  	_ =	shalt  }
0x85: {  	_ =	shalt  }
0x86: {  	_ =	shalt  }
0x87: {  	_ =	shalt  }
.Lfunc_end0:
.L_simem_size_0:
called_computation.1_lowered:
.L_overlay_start_0:
0x88: {  	s2 =	sld [smem:$0x3FD9]  }
0x89: {  	s3 =	sld [smem:$0x3FFE];
	_ =	sdelay $0x1  }
0x8a: {  	s1 =	srdreg.scid  }
0x8b: {  	s0 =	sand.u32 $0x1, s1  }
0x8c: {  	s17 =	sshll.u32 s0, $0xA;
	s2 =	sadd.s32 s3, s2  }
0x8d: {  	s2 =	sadd.s32 s2, s17  }
0x8e: {  	[smem:$0x3FC2] =	sst s2  }
0x8f: {  	_ = 	snop  }
0x90: {  	s2 =	sld [smem:$0x3FD0];
	(tm) =	ssettm $0x1  }
0x91: {  	s18 =	sld [smem:$0x3FFB];
	_ =	sdelay $0x3  }
0x92: {  	_ =	strace s18  }
0x93: {  	s3 =	sld [smem:$0x3FFC];
	_ =	sdelay $0x3  }
0x94: {  	_ =	strace s3  }
0x95: {  	s3 =	sld [smem:$0x3FFD];
	_ =	sdelay $0x3  }
0x96: {  	_ =	strace s3  }
0x97: {  	_ =	strace $0x8FFFFFFF  }
0x98: {  	s19 =	sld [smem:$0x3FDB];
	_ =	sdelay $0x1  }
0x99: {  	s4 =	simm.s32 $_scs_section_size  }
0x9a: {  	s5 =	simm.s32 $_size__tile_overlayer_lowered;
	s6 =	simm.s32 $_tile_overlayer_lowered  }
0x9b: {  	s22 =	simm.s32 $0x1BFF;
	s21 =	sshll.u32 s6, $0x1;
	s3 =	sadd.s32 s4, s19  }
0x9c: {  	s7 =	simm.s32 $0x0;
	s20 =	sshll.u32 s5, $0x1;
	s5 =	sadd.s32 s21, s3  }
0x9d: {  	[timem:s7], [sflag:s22] =	dma.local [hbm:s5], s20  }
0x9e: {  	_ =	swait.ge [sflag:s22], s20  }
0x9f: {  	s4 =	ssub.s32 $0x0, s20;
	[sflag:s22] =	ssyncset.done $0x0  }
0xa0: {  	[sflag:s22] =	ssyncadd.s32 s4;
	_ =	sdelay $0x1  }
0xa1: {  	s23 =	simm.s32 $0x1B8B  }
0xa2: {  	_ =	swait.ge [sflag:s23], $0x1  }
0xa3: {  	[sflag:s23] =	ssyncset.done $0x0  }
0xa4: {  	s25 =	simm.s32 $0x1B8E;
	s24 =	sld [smem:$0x3FFE];
	[sflag:s23] =	ssyncadd.s32 $0xFFFFFFFF  }
0xa5: {  	s26 =	simm.s32 $execute0_lowered;
	[smem:$0x3FD2] =	sst s25  }
0xa6: {  	s5 =	sshll.u32 s26, $0x1;
	_ =	strace $0x80000049;
	[dreg:$0x1] =	wrdreg $0xFFFFFFFF  }
0xa7: {  	s28 =	simm.s32 $_size_execute0_lowered;
	s3 =	sadd.s32 s3, s5;
	[dreg:$0x0] =	wrdreg $0x0  }
0xa8: {  	s5 =	sshll.u32 s28, $0x1;
	[dreg:$0x2] =	wrdreg s3  }
0xa9: {  	[dreg:$0x3] =	wrdreg s5  }
0xaa: {  	[dreg:$0x4] =	wrdreg $0xC0  }
0xab: {  	_ =	task [dreg:s7], $0x5FFFF  }
0xac: {  	[dreg:$0x1] =	wrdreg $0xFFFFFFFF  }
0xad: {  	[dreg:$0x0] =	wrdreg $0x60  }
0xae: {  	[dreg:$0x2] =	wrdreg s2  }
0xaf: {  	[dreg:$0x3] =	wrdreg s24  }
0xb0: {  	[dreg:$0x4] =	wrdreg $0x0  }
0xb1: {  	[dreg:$0x5] =	wrdreg $0x140000  }
0xb2: {  	[dreg:$0x6] =	wrdreg $0x9  }
0xb3: {  	_ =	task.clear_ibuf [dreg:s7], $0x7FFFF;
	_ =	strace $0x90000049  }
0xb4: {  	s29 =	simm.s32 $0x9;
	_ =	strace $0x8000004B  }
0xb5: {  	_ =	swait.ge [sflag:s29], $0x1  }
0xb6: {  	[sflag:s29] =	ssyncadd.s32 $0xFFFFFFFF  }
0xb7: {  	_ =	strace $0x9000004B  }
0xb8: {  	_ =	sfence  }
0xb9: {  	s30 =	sld [smem:$0x0];
	_ =	sdelay $0x2  }
0xba: {  	s31 =	sshll.u32 s1, $0xD;
	s1 =	sshrl.u32 s1, $0x2  }
0xbb: {  	s3 =	sand.u32 $0x4000, s31;
	s1 =	sadd.s32 s1, s30  }
0xbc: {  	s0 =	sor.u32 s3, s0;
	s1 =	sshll.u32 s1, $0x11  }
0xbd: {  	s0 =	sor.u32 s1, s0  }
0xbe: {  	s0 =	sadd.s32 $0x8F2B, s0  }
0xbf: {  	[sflag:s0] =	ssyncadd.remote.s32 $0x1  }
0xc0: {  	_ =	sfence.sel $0xFFFF  }
0xc1: {  	[dreg:$0x0] =	wrdreg $0xFFFFFFFF;
	(pc) =	sbr.abs _section_cstart, $3  }
0xc2: {  	[dreg:$0x1] =	wrdreg $0xFFFFFFFF  }
0xc3: {  	_ =	task.clear_ibuf [dreg:s7], $0x2FFFF;
	_ =	strace $0x9FFFFFFF  }
0xc4: {  	(tm) =	ssettm $0x7FFFFFFF  }
0xc5: {  	_ =	shalt  }
tec
execute0_lowered:
.L_overlay_start_1:
0x0: {  	(tag) =	ssettag $0x1  }
0x1: {  	s1 =	rddreg [dreg:$0x0]  }
0x2: {  	s0 =	rddreg [dreg:$0x1]  }
0x3: {  	s2 =	rddreg [dreg:$0x2]  }
0x4: {  	s3 =	rddreg [dreg:$0x3]  }
0x5: {  	s4 =	srdreg.scid;
	s5 =	simm.s32 $0x0;
	s13 =	stileid.u32  }
0x6: {  	s29 =	simm.s32 $0x14280;
	s30 =	simm.s32 $0x14300;
	s9 =	smul.u32 $0x14000, s13  }
0x7: {  	s31 =	simm.s32 $0x50;
	s28 =	simm.s32 $0x14400;
	s26 =	smul.u32 $0x500, s13  }
0x8: {  	s4 =	sand.u32 $0x1, s4;
	[smem:$0x7FF] =	sst s5;
	s11 =	smul.u32 $0x50000, s13  }
0x9: {  	s6 =	sadd.s32 $0x72000, s0;
	s7 =	sadd.s32 $0x82000, s0;
	s18 =	smul.u32 $0xA00, s13  }
0xa: {  	s19 =	sshll.u32 s13, $0xE;
	s8 =	smul.u32 $0x140000, s4;
	_ =	strace $0x8000004A  }
0xb: {  	s10 =	sshll.u32 s4, $0x7;
	s11 =	sshrl.u32 s11, $0x2;
	s23 =	sshrl.u32 s18, $0x2  }
0xc: {  	s8 =	sadd.s32 s9, s8;
	s9 =	sor.u32 s10, s26;
	s10 =	ssub.s32 $0x2, s4  }
0xd: {  	s4 =	sshll.u32 s4, $0x12;
	s8 =	sshrl.u32 s8, $0x3;
	s14 =	sshrl.u32 s10, $0x1  }
0xe: {  	s12 =	sadd.s32 s8, s0;
	s8 =	sshrl.u32 s9, $0x3;
	s9 =	ssub.s32 s10, s14  }
0xf: {  	s0 =	sadd.s32 s8, s0;
	s8 =	sadd.s32 s11, s2;
	s26 =	sadd.s32 $0x1600, s12  }
0x10: {  	s14 =	sor.u32 s19, s4;
	s15 =	sadd.s32 $0x2800, s8;
	[dreg:$0xc] =	wrdreg s26  }
0x11: {  	s4 =	simm.s32 $0x16C80;
	s16 =	sadd.s32 $0x5000, s8;
	[dreg:$0x5] =	wrdreg s15  }
0x12: {  	s10 =	simm.s32 $0x19480;
	s17 =	sadd.s32 $0x7800, s8;
	[dreg:$0x6] =	wrdreg s16  }
0x13: {  	s24 =	sshrl.u32 s14, $0x3;
	s20 =	sadd.s32 $0xA000, s8;
	[dreg:$0x7] =	wrdreg s17  }
0x14: {  	s11 =	simm.s32 $0x2;
	s21 =	sadd.s32 $0xC800, s8;
	[dreg:$0x8] =	wrdreg s20  }
0x15: {  	s12 =	simm.s32 $0x0;
	s22 =	sadd.s32 $0xF000, s8;
	[dreg:$0x9] =	wrdreg s21  }
0x16: {  	s25 =	sadd.s32 $0x11800, s8;
	s18 =	sadd.s32 s24, s6;
	[dreg:$0xa] =	wrdreg s22  }
0x17: {  	s19 =	sadd.s32 s24, s7;
	s0 =	sadd.s32 $0x51600, s0;
	[dreg:$0xb] =	wrdreg s25  }
0x18: {  	s26 =	simm.s32 $0x3;
	s17 =	sadd.s32 s23, s3;
	[dreg:$0xd] =	wrdreg s0  }
0x19: {  	s22 =	smax.u32 s9, $0x1;
	s15 =	sadd.s32 $0x10, s18;
	s16 =	sadd.s32 $0x10, s19  }
0x1a: {  	v0 =	vimm.f32 $1.000000000e+00;
	v1 =	vimm.f32 $0.0e+00;
	s25 =	simm.s32 $0x14480;
	s0 =	simm.s32 $0x14380;
	s9 =	simm.s32 $0x1  }
.LBB2_1:
0x1b: {  	s13 =	simm.s32 $0x0  }
0x1c: {  	[tilespmem:$0x19480] =	vst v0;
	s23 =	sand.u32 $0xFFFFFF80, s13  }
0x1d: {  	[tilespmem:$0x19490] =	vst v0;
	s23 =	ssub.s32 $0x0, s23  }
0x1e: {  	[tilespmem:$0x194A0] =	vst v0;
	s13 =	sand.u32 $0x3FFFFF80, s13;
	s23 =	sand.u32 $0xFFFFFF80, s23  }
0x1f: {  	[tilespmem:$0x194B0] =	vst v0;
	s24 =	sand.u32 $0x70, s5;
	s23 =	sadd.s32 s23, s13  }
0x20: {  	[tilespmem:$0x194C0] =	vst v0;
	s13 =	simm.s32 $0x1;
	s24 =	sor.u32 s24, s23;
	s23 =	simm.s32 $0x0  }
.LBB2_2:
0x21: {  	s20 =	sshll.u32 s13, $0x4;
	p0 =	sne.s32 s13, $0x27F;
	s13 =	sadd.s32 $0x1, s13;
	[tilespmem:s24+$0x14480] =	vst v1  }
.Ltmp0:
0x22: {  	s23 =	sadd.s32 $0x10, s23;
	s24 =	sand.u32 $0xFFFFFF80, s20;
	(pc) =	sbr.rel @p0 .LBB2_2-.Ltmp0, $4  }
0x23: {  	s24 =	ssub.s32 s23, s24  }
0x24: {  	s20 =	sand.u32 $0x3FFFFF80, s20;
	s24 =	sand.u32 $0xFFFFFF80, s24  }
0x25: {  	s21 =	sand.u32 $0x70, s23;
	s20 =	sadd.s32 s24, s20  }
0x26: {  	s24 =	sor.u32 s21, s20  }
0x27: {  	[tilespmem:s24+$0x14480] =	vst v1  }
0x28: {  	[tilespmem:$0x19500] =	vst v1  }
0x29: {  	[tilespmem:$0x19510] =	vst v1  }
0x2a: {  	[tilespmem:$0x19520] =	vst v1  }
0x2b: {  	[tilespmem:$0x19530] =	vst v1  }
0x2c: {  	[tilespmem:$0x19540] =	vst v1  }
0x2d: {  	[tilespmem:$0x19550] =	vst v1  }
0x2e: {  	[tilespmem:$0x19560] =	vst v1  }
0x2f: {  	[tilespmem:$0x19570] =	vst v1  }
0x30: {  	[tilespmem:$0x19580] =	vst v1  }
0x31: {  	[tilespmem:$0x19590] =	vst v1  }
0x32: {  	[tilespmem:$0x195A0] =	vst v1  }
0x33: {  	[tilespmem:$0x195B0] =	vst v1  }
0x34: {  	[tilespmem:$0x195C0] =	vst v1  }
0x35: {  	[tilespmem:$0x195D0] =	vst v1  }
0x36: {  	[tilespmem:$0x195E0] =	vst v1  }
0x37: {  	[tilespmem:$0x195F0] =	vst v1  }
0x38: {  	[tilespmem:$0x19600] =	vst v1  }
0x39: {  	[tilespmem:$0x19610] =	vst v1  }
0x3a: {  	[tilespmem:$0x19620] =	vst v1  }
0x3b: {  	[tilespmem:$0x19630] =	vst v1  }
0x3c: {  	[tilespmem:$0x19640] =	vst v1  }
0x3d: {  	[tilespmem:$0x19650] =	vst v1  }
0x3e: {  	[tilespmem:$0x19660] =	vst v1  }
0x3f: {  	[tilespmem:$0x19670] =	vst v1  }
0x40: {  	[tilespmem:$0x19680] =	vst v1  }
0x41: {  	[tilespmem:$0x19690] =	vst v1  }
0x42: {  	[tilespmem:$0x196A0] =	vst v1  }
0x43: {  	[tilespmem:$0x196B0] =	vst v1  }
0x44: {  	[tilespmem:$0x196C0] =	vst v1  }
0x45: {  	[tilespmem:$0x196D0] =	vst v1  }
0x46: {  	[tilespmem:$0x196E0] =	vst v1  }
0x47: {  	[tilespmem:$0x196F0] =	vst v1  }
0x48: {  	[tilespmem:$0x19700] =	vst v1  }
0x49: {  	[tilespmem:$0x19710] =	vst v1  }
0x4a: {  	[tilespmem:$0x19720] =	vst v1  }
0x4b: {  	[tilespmem:$0x19730] =	vst v1  }
0x4c: {  	[tilespmem:$0x19740] =	vst v1  }
0x4d: {  	[tilespmem:$0x19750] =	vst v1  }
0x4e: {  	[tilespmem:$0x19760] =	vst v1  }
0x4f: {  	[tilespmem:$0x19770] =	vst v1  }
0x50: {  	[spmem:s8] =	stream.linear.scatter [tilespmem:s25], [sflag:$0x3], $0x2800, $0x38;
	[tilespmem:$0x19780] =	vst v63  }
0x51: {  	_ =	swait.ge [sflag:s26], $0x2800  }
0x52: {  	[sflag:s26] =	ssyncset.done $0x0  }
0x53: {  	s13 =	rddreg [dreg:$0x5];
	[sflag:s26] =	ssyncadd.s32 $0xFFFFD800  }
0x54: {  	[spmem:s13] =	stream.linear.scatter [tilespmem:s25], [sflag:$0x3], $0x2800, $0x38;
	[tilespmem:$0x19780] =	vst v63  }
0x55: {  	_ =	swait.ge [sflag:s26], $0x2800  }
0x56: {  	[sflag:s26] =	ssyncset.done $0x0  }
0x57: {  	s24 =	rddreg [dreg:$0x6];
	[sflag:s26] =	ssyncadd.s32 $0xFFFFD800  }
0x58: {  	[spmem:s24] =	stream.linear.scatter [tilespmem:s25], [sflag:$0x3], $0x2800, $0x38;
	[tilespmem:$0x19780] =	vst v63  }
0x59: {  	_ =	swait.ge [sflag:s26], $0x2800  }
0x5a: {  	[sflag:s26] =	ssyncset.done $0x0  }
0x5b: {  	s20 =	rddreg [dreg:$0x7];
	[sflag:s26] =	ssyncadd.s32 $0xFFFFD800  }
0x5c: {  	[spmem:s20] =	stream.linear.scatter [tilespmem:s25], [sflag:$0x3], $0x2800, $0x38;
	[tilespmem:$0x19780] =	vst v63  }
0x5d: {  	_ =	swait.ge [sflag:s26], $0x2800  }
0x5e: {  	[sflag:s26] =	ssyncset.done $0x0  }
0x5f: {  	s21 =	rddreg [dreg:$0x8];
	[sflag:s26] =	ssyncadd.s32 $0xFFFFD800  }
0x60: {  	[spmem:s21] =	stream.linear.scatter [tilespmem:s25], [sflag:$0x3], $0x2800, $0x38;
	[tilespmem:$0x19780] =	vst v63  }
0x61: {  	_ =	swait.ge [sflag:s26], $0x2800  }
0x62: {  	[sflag:s26] =	ssyncset.done $0x0  }
0x63: {  	s23 =	rddreg [dreg:$0x9];
	[sflag:s26] =	ssyncadd.s32 $0xFFFFD800  }
0x64: {  	[spmem:s23] =	stream.linear.scatter [tilespmem:s25], [sflag:$0x3], $0x2800, $0x38;
	[tilespmem:$0x19780] =	vst v63  }
0x65: {  	_ =	swait.ge [sflag:s26], $0x2800  }
0x66: {  	[sflag:s26] =	ssyncset.done $0x0  }
0x67: {  	s24 =	rddreg [dreg:$0xa];
	[sflag:s26] =	ssyncadd.s32 $0xFFFFD800  }
0x68: {  	[spmem:s24] =	stream.linear.scatter [tilespmem:s25], [sflag:$0x3], $0x2800, $0x38;
	[tilespmem:$0x19780] =	vst v63  }
0x69: {  	_ =	swait.ge [sflag:s26], $0x2800  }
0x6a: {  	[sflag:s26] =	ssyncset.done $0x0  }
0x6b: {  	s20 =	rddreg [dreg:$0xb];
	[sflag:s26] =	ssyncadd.s32 $0xFFFFD800  }
0x6c: {  	[spmem:s20] =	stream.linear.scatter [tilespmem:s25], [sflag:$0x3], $0x2800, $0x38;
	[tilespmem:$0x19780] =	vst v63  }
0x6d: {  	_ =	swait.ge [sflag:s26], $0x2800  }
0x6e: {  	[sflag:s26] =	ssyncset.done $0x0  }
0x6f: {  	s21 =	simm.s32 $0x19500;
	[sflag:s26] =	ssyncadd.s32 $0xFFFFD800  }
0x70: {  	[spmem:s17] =	stream.linear.scatter [tilespmem:s21], [sflag:$0x3], $0x280, $0x38;
	[tilespmem:$0x19780] =	vst v63  }
0x71: {  	_ =	swait.ge [sflag:s26], $0x280  }
0x72: {  	[sflag:s26] =	ssyncset.done $0x0  }
0x73: {  	[sflag:s26] =	ssyncadd.s32 $0xFFFFFD80  }
0x74: {  	[bflag:$0x0] =	sbarrier.arrive $0xFFFF  }
0x75: {  	[tilespmem:s29], [sflag:$0x3] =	stream.linear.gather [hbm4b:s18+s5], $0x80, $0x38;
	[tilespmem:$0x19780] =	vst v63  }
0x76: {  	_ =	swait.ge [sflag:s26], $0x80  }
0x77: {  	[sflag:s26] =	ssyncset.done $0x0  }
0x78: {  	[sflag:s26] =	ssyncadd.s32 $0xFFFFFF80  }
0x79: {  	[tilespmem:s30], [sflag:$0x3] =	stream.linear.gather [hbm4b:s19+s5], $0x80, $0x38;
	[tilespmem:$0x19780] =	vst v63  }
0x7a: {  	_ =	swait.ge [sflag:s26], $0x80  }
0x7b: {  	[sflag:s26] =	ssyncset.done $0x0  }
0x7c: {  	[sflag:s26] =	ssyncadd.s32 $0xFFFFFF80  }
0x7d: {  	[tilespmem:s25], [sflag:$0x1] =	stream.indirect.gather [hbm4b:s1+s31], $0x80, s29, s31, $0xb8;
	[tilespmem:$0x19780] =	vst v63  }
0x7e: {  	_ = 	snop  }
0x7f: {  	[tilespmem:s0], [sflag:$0x3] =	stream.linear.gather [hbm4b:s15+s5], $0x80, $0x38;
	[tilespmem:$0x19780] =	vst v63  }
0x80: {  	_ =	swait.ge [sflag:s26], $0x80  }
0x81: {  	[sflag:s26] =	ssyncset.done $0x0  }
0x82: {  	[sflag:s26] =	ssyncadd.s32 $0xFFFFFF80  }
0x83: {  	[tilespmem:s28], [sflag:$0x3] =	stream.linear.gather [hbm4b:s16+s5], $0x80, $0x38;
	[tilespmem:$0x19780] =	vst v63  }
0x84: {  	_ =	swait.ge [sflag:s26], $0x80  }
0x85: {  	[sflag:s26] =	ssyncset.done $0x0  }
0x86: {  	[sflag:s26] =	ssyncadd.s32 $0xFFFFFF80  }
0x87: {  	[tilespmem:s4], [sflag:$0x2] =	stream.indirect.gather [hbm4b:s1+s31], $0x80, s0, s31, $0xb8;
	[tilespmem:$0x19780] =	vst v63  }
0x88: {  	_ =	swait.ge [sflag:s9], $0x2800  }
0x89: {  	[sflag:s9] =	ssyncset.done $0x0  }
0x8a: {  	[sflag:s9] =	ssyncadd.s32 $0xFFFFD800  }
0x8b: {  	[spmem:s2] =	stream.indirect.scatter.add.f32 [tilespmem:s25], [sflag:$0x3], $0x80, s30, s31, $0xb8;
	[tilespmem:$0x19780] =	vst v63  }
0x8c: {  	s23 =	simm.s32 $0x100;
	_ =	swait.ge [sflag:s26], $0x2800  }
0x8d: {  	s20 =	sand.u32 $0x7C00, s23;
	[sflag:s26] =	ssyncset.done $0x0  }
0x8e: {  	s13 =	sand.u32 $0x300, s23;
	s20 =	sadd.s32 s14, s20;
	[sflag:s26] =	ssyncadd.s32 $0xFFFFD800  }
0x8f: {  	[spmem:s3] =	stream.indirect.scatter.add.f32 [tilespmem:s10], [sflag:$0x3], $0x1, s30, s31, $0xb8;
	[tilespmem:$0x19780] =	vst v63  }
0x90: {  	s13 =	sor.u32 s13, s20;
	_ =	swait.ge [sflag:s26], $0x50  }
0x91: {  	s13 =	sshrl.u32 s13, $0x3;
	[sflag:s26] =	ssyncset.done $0x0  }
0x92: {  	s24 =	sadd.s32 s6, s13;
	[sflag:s26] =	ssyncadd.s32 $0xFFFFFFB0  }
0x93: {  	[tilespmem:s29], [sflag:$0x3] =	stream.linear.gather [hbm4b:s24+s5], $0x80, $0x38;
	[tilespmem:$0x19780] =	vst v63  }
0x94: {  	_ =	swait.ge [sflag:s26], $0x80  }
0x95: {  	[sflag:s26] =	ssyncset.done $0x0  }
0x96: {  	s13 =	sadd.s32 s7, s13;
	[sflag:s26] =	ssyncadd.s32 $0xFFFFFF80  }
0x97: {  	[tilespmem:s30], [sflag:$0x3] =	stream.linear.gather [hbm4b:s13+s5], $0x80, $0x38;
	[tilespmem:$0x19780] =	vst v63  }
0x98: {  	_ =	swait.ge [sflag:s26], $0x80  }
0x99: {  	[sflag:s26] =	ssyncset.done $0x0  }
0x9a: {  	[sflag:s26] =	ssyncadd.s32 $0xFFFFFF80  }
0x9b: {  	[tilespmem:s25], [sflag:$0x1] =	stream.indirect.gather [hbm4b:s1+s31], $0x80, s29, s31, $0xb8;
	[tilespmem:$0x19780] =	vst v63  }
0x9c: {  	_ =	swait.ge [sflag:s11], $0x2800  }
0x9d: {  	[sflag:s11] =	ssyncset.done $0x0  }
0x9e: {  	[sflag:s11] =	ssyncadd.s32 $0xFFFFD800  }
0x9f: {  	[spmem:s2] =	stream.indirect.scatter.add.f32 [tilespmem:s4], [sflag:$0x3], $0x80, s28, s31, $0xb8;
	[tilespmem:$0x19780] =	vst v63  }
0xa0: {  	_ =	swait.ge [sflag:s26], $0x2800  }
0xa1: {  	[sflag:s26] =	ssyncset.done $0x0  }
0xa2: {  	s23 =	smov.u32 s15;
	[sflag:s26] =	ssyncadd.s32 $0xFFFFD800  }
0xa3: {  	[spmem:s3] =	stream.indirect.scatter.add.f32 [tilespmem:s10], [sflag:$0x3], $0x1, s28, s31, $0xb8;
	[tilespmem:$0x19780] =	vst v63  }
0xa4: {  	s24 =	smov.u32 s16;
	s13 =	simm.s32 $0x200;
	_ =	swait.ge [sflag:s26], $0x50  }
.LBB2_4:
0xa5: {  	[sflag:s26] =	ssyncset.done $0x0  }
0xa6: {  	s23 =	sadd.s32 $0x20, s23;
	s24 =	sadd.s32 $0x20, s24;
	s20 =	smov.u32 s13  }
0xa7: {  	p0 =	sne.s32 s13, $0x3E00;
	s13 =	sadd.s32 $0x100, s13;
	[sflag:s26] =	ssyncadd.s32 $0xFFFFFFB0  }
0xa8: {  	[tilespmem:s0], [sflag:$0x3] =	stream.linear.gather [hbm4b:s23+s5], $0x80, $0x38;
	[tilespmem:$0x19780] =	vst v63  }
0xa9: {  	_ =	swait.ge [sflag:s26], $0x80  }
0xaa: {  	[sflag:s26] =	ssyncset.done $0x0  }
0xab: {  	[sflag:s26] =	ssyncadd.s32 $0xFFFFFF80  }
0xac: {  	[tilespmem:s28], [sflag:$0x3] =	stream.linear.gather [hbm4b:s24+s5], $0x80, $0x38;
	[tilespmem:$0x19780] =	vst v63  }
0xad: {  	_ =	swait.ge [sflag:s26], $0x80  }
0xae: {  	[sflag:s26] =	ssyncset.done $0x0  }
0xaf: {  	[sflag:s26] =	ssyncadd.s32 $0xFFFFFF80  }
0xb0: {  	[tilespmem:s4], [sflag:$0x2] =	stream.indirect.gather [hbm4b:s1+s31], $0x80, s0, s31, $0xb8;
	[tilespmem:$0x19780] =	vst v63  }
0xb1: {  	_ =	swait.ge [sflag:s9], $0x2800  }
0xb2: {  	[sflag:s9] =	ssyncset.done $0x0  }
0xb3: {  	[sflag:s9] =	ssyncadd.s32 $0xFFFFD800  }
0xb4: {  	[spmem:s2] =	stream.indirect.scatter.add.f32 [tilespmem:s25], [sflag:$0x3], $0x80, s30, s31, $0xb8;
	[tilespmem:$0x19780] =	vst v63  }
0xb5: {  	_ =	swait.ge [sflag:s26], $0x2800  }
0xb6: {  	s21 =	sand.u32 $0x7C00, s20;
	[sflag:s26] =	ssyncset.done $0x0  }
0xb7: {  	s20 =	sand.u32 $0x300, s20;
	s21 =	sadd.s32 s14, s21;
	[sflag:s26] =	ssyncadd.s32 $0xFFFFD800  }
0xb8: {  	[spmem:s3] =	stream.indirect.scatter.add.f32 [tilespmem:s10], [sflag:$0x3], $0x1, s30, s31, $0xb8;
	[tilespmem:$0x19780] =	vst v63  }
0xb9: {  	s20 =	sor.u32 s20, s21;
	_ =	swait.ge [sflag:s26], $0x50  }
0xba: {  	s20 =	sshrl.u32 s20, $0x3;
	[sflag:s26] =	ssyncset.done $0x0  }
0xbb: {  	s21 =	sadd.s32 s6, s20;
	[sflag:s26] =	ssyncadd.s32 $0xFFFFFFB0  }
0xbc: {  	[tilespmem:s29], [sflag:$0x3] =	stream.linear.gather [hbm4b:s21+s5], $0x80, $0x38;
	[tilespmem:$0x19780] =	vst v63  }
0xbd: {  	_ =	swait.ge [sflag:s26], $0x80  }
0xbe: {  	s20 =	sadd.s32 s7, s20;
	[sflag:s26] =	ssyncset.done $0x0  }
0xbf: {  	[sflag:s26] =	ssyncadd.s32 $0xFFFFFF80  }
0xc0: {  	[tilespmem:s30], [sflag:$0x3] =	stream.linear.gather [hbm4b:s20+s5], $0x80, $0x38;
	[tilespmem:$0x19780] =	vst v63  }
0xc1: {  	_ =	swait.ge [sflag:s26], $0x80  }
0xc2: {  	[sflag:s26] =	ssyncset.done $0x0  }
0xc3: {  	[sflag:s26] =	ssyncadd.s32 $0xFFFFFF80  }
0xc4: {  	[tilespmem:s25], [sflag:$0x1] =	stream.indirect.gather [hbm4b:s1+s31], $0x80, s29, s31, $0xb8;
	[tilespmem:$0x19780] =	vst v63  }
0xc5: {  	_ =	swait.ge [sflag:s11], $0x2800  }
0xc6: {  	[sflag:s11] =	ssyncset.done $0x0  }
0xc7: {  	[sflag:s11] =	ssyncadd.s32 $0xFFFFD800  }
0xc8: {  	[spmem:s2] =	stream.indirect.scatter.add.f32 [tilespmem:s4], [sflag:$0x3], $0x80, s28, s31, $0xb8;
	[tilespmem:$0x19780] =	vst v63  }
.Ltmp1:
0xc9: {  	_ =	swait.ge [sflag:s26], $0x2800;
	(pc) =	sbr.rel @p0 .LBB2_4-.Ltmp1, $4  }
0xca: {  	[sflag:s26] =	ssyncset.done $0x0  }
0xcb: {  	[sflag:s26] =	ssyncadd.s32 $0xFFFFD800  }
0xcc: {  	[spmem:s3] =	stream.indirect.scatter.add.f32 [tilespmem:s10], [sflag:$0x3], $0x1, s28, s31, $0xb8;
	[tilespmem:$0x19780] =	vst v63  }
0xcd: {  	_ =	swait.ge [sflag:s26], $0x50  }
0xce: {  	[sflag:s26] =	ssyncset.done $0x0  }
0xcf: {  	[sflag:s26] =	ssyncadd.s32 $0xFFFFFFB0  }
0xd0: {  	_ =	swait.ge [sflag:s9], $0x2800  }
0xd1: {  	[sflag:s9] =	ssyncset.done $0x0  }
0xd2: {  	[sflag:s9] =	ssyncadd.s32 $0xFFFFD800  }
0xd3: {  	[spmem:s2] =	stream.indirect.scatter.add.f32 [tilespmem:s25], [sflag:$0x3], $0x80, s30, s31, $0xb8;
	[tilespmem:$0x19780] =	vst v63  }
0xd4: {  	_ =	swait.ge [sflag:s26], $0x2800  }
0xd5: {  	[sflag:s26] =	ssyncset.done $0x0  }
0xd6: {  	[sflag:s26] =	ssyncadd.s32 $0xFFFFD800  }
0xd7: {  	[spmem:s3] =	stream.indirect.scatter.add.f32 [tilespmem:s10], [sflag:$0x3], $0x1, s30, s31, $0xb8;
	[tilespmem:$0x19780] =	vst v63  }
0xd8: {  	_ =	swait.ge [sflag:s26], $0x50  }
0xd9: {  	[sflag:s26] =	ssyncset.done $0x0  }
0xda: {  	s13 =	stileid.u32;
	[sflag:s26] =	ssyncadd.s32 $0xFFFFFFB0  }
0xdb: {  	s20 =	sshrl.u32 s8, $0x3;
	s13 =	sshll.u32 s13, $0x6;
	[bflag:$0x0] =	sbarrier.arrive $0xFFFF  }
0xdc: {  	s23 =	simm.s32 $0x20;
	s13 =	sor.u32 $0x1C03, s13;
	s21 =	rddreg [dreg:$0xc]  }
0xdd: {  	[hbm:s21], [sflag:s13] =	dma.local [spmem:s20], $0x2800  }
0xde: {  	s24 =	simm.s32 $0x10;
	s12 =	sadd.s32 $0x1, s12;
	_ =	swait.ge [sflag:s26], $0x2800  }
0xdf: {  	p0 =	sne.s32 s12, s22;
	s20 =	sshrl.u32 s17, $0x3;
	[sflag:s26] =	ssyncset.done $0x0  }
.Ltmp2:
0xe0: {  	s21 =	rddreg [dreg:$0xd];
	[sflag:s26] =	ssyncadd.s32 $0xFFFFD800;
	(pc) =	sbr.rel @p0 .LBB2_1-.Ltmp2, $4  }
0xe1: {  	[hbm:s21@s23], [sflag:s13] =	dma.strided [spmem:s20@s24], $0x50, s9, $0x10   }
0xe2: {  	_ =	swait.ge [sflag:s26], $0x50  }
0xe3: {  	[sflag:s26] =	ssyncset.done $0x0  }
0xe4: {  	[sflag:s26] =	ssyncadd.s32 $0xFFFFFFB0  }
0xe5: {  	_ =	sfence.sel $0x180000  }
0xe6: {  	[bflag:$0x0] =	sbarrier.arrive $0xFFFF  }
0xe7: {  	_ =	strace $0x9000004A  }
0xe8: {  	s0 =	stileid.u32;
	[bflag:$0x2] =	sbarrier.arrive $0xFFFF  }
0xe9: {  	p0 =	sne.s32 s0, $0x0;
	s0 =	rddreg [dreg:$0x4]  }
0xea: {  	s0 =	sadd.s32 @!p0 $0x100000, s0  }
0xeb: {  	[sflag:s0] =	ssyncadd.tile.s32 @!p0 $0x1;
	_ =	shalt  }
.Lfunc_end2:
_tile_overlayer_lowered:
.L_overlay_start_2:
0xec: {  	(tag) =	ssettag $0x2  }
0xed: {  	s0 =	rddreg [dreg:$0x0];
	s2 =	stileid.u32  }
0xee: {  	s1 =	rddreg [dreg:$0x1];
	p0 =	sne.s32 s2, $0x0  }
0xef: {  	s3 =	rddreg [dreg:$0x2];
	[bflag:$0x3] =	sbarrier.arrive $0xFFFF;
	s2 =	simm.s32 @!p0 $0x1C03  }
0xf0: {  	[timem:s3], [sflag:s2] =	dma.local @!p0 [hbm:s0], s1  }
0xf1: {  	s0 =	simm.s32 @!p0 $0x3  }
0xf2: {  	_ =	swait.ge @!p0 [sflag:s0], s1  }
0xf3: {  	s1 =	ssub.s32 @!p0 $0x0, s1;
	[sflag:s0] =	ssyncset.done @!p0 $0x0  }
0xf4: {  	[sflag:s0] =	ssyncadd.s32 @!p0 s1  }
0xf5: {  	[bflag:$0x3] =	sbarrier.arrive $0xFFFF  }
0xf6: {  	_ =	shalt  }

// kernel: kernel.7.cloned.1.call-start
scs
__scs_entry_jumppad:
0x0: {  	(pc) =	sbr.rel $0x88, $3  }
0x1: {  	(tag) =	ssettag $0x0;
	lr =	simm.s32 $0x1  }
0x2: {  	[smem:$0x3F9B] =	sst lr;
	_ =	strace $0xD0000000  }
0x3: {  	_ = 	snop  }
0x4: {  	_ = 	snop  }
0x5: {  	_ = 	snop  }
0x6: {  	_ = 	snop  }
0x7: {  	_ = 	snop  }
__scs_overlays_trampoline_lowered:
0x8: {  	[smem:$0x3FAA] =	sst s0  }
0x9: {  	[smem:$0x3FAB] =	sst s1  }
0xa: {  	[smem:$0x3FAC] =	sst s2  }
0xb: {  	[smem:$0x3FAD] =	sst s3  }
0xc: {  	[smem:$0x3FAE] =	sst s4  }
0xd: {  	[smem:$0x3FAF] =	sst s5  }
0xe: {  	[smem:$0x3FB0] =	sst s6  }
0xf: {  	[smem:$0x3FB1] =	sst s7  }
0x10: {  	[smem:$0x3FB2] =	sst s8  }
0x11: {  	[smem:$0x3FB3] =	sst s9;
	s0 =	simm.s32 @!p0 $0x0  }
0x12: {  	s1 =	sld [smem:$0x3F99];
	s0 =	simm.s32 @p0 $0x1  }
0x13: {  	[smem:$0x3FB4] =	sst s0;
	s0 =	simm.s32 @!p1 $0x0  }
0x14: {  	s2 =	sld [smem:$0x3F98];
	s0 =	simm.s32 @p1 $0x1  }
0x15: {  	[smem:$0x3FB5] =	sst s0;
	s0 =	simm.s32 @!p2 $0x0  }
0x16: {  	s3 =	sld [smem:$0x3FDB];
	s0 =	simm.s32 @p2 $0x1  }
0x17: {  	s4 =	simm.s32 $0x1BF5;
	[smem:$0x3FB7] =	sst s0  }
0x18: {  	s0 =	sld [smem:$0x3F9A];
	_ =	swait.ge [sflag:s4], $0x0  }
0x19: {  	s7 =	sld [smem:$0x3F9B]  }
0x1a: {  	s8 =	sadd.s32 $0xFFFFE003, lr  }
0x1b: {  	s9 =	sadd.s32 $0xFFFFFEF7, lr;
	s5 =	simm.s32 $0xFFFFFFFF;
	p2 =	slt.u32 s8, $0xFFFFF086  }
0x1c: {  	p1 =	slt.u32 s9, $0xF7A;
	s5 =	simm.s32 @!p2 $0x0  }
0x1d: {  	s5 =	simm.s32 @p1 $0x1;
	p0 =	seq.s32 s7, s2  }
0x1e: {  	s7 =	smul.u32 @!p0 $0xF7A, s2;
	p2 =	seq.s32 @!p0 s5, $0x0  }
0x1f: {  	s9 =	smul.u32 $0xF7A, s1;
	s8 =	simm.s32 @!p0 $0x1BF5;
	p2 =	por !p2, p0  }
0x20: {  	[sflag:s8] =	ssyncset.s32 @!p0 $0xFFFFF086;
	s6 =	sadd.s32 @!p0 s3, s7;
	s7 =	simm.s32 @!p0 $0x108  }
0x21: {  	s3 =	sadd.s32 s3, s9;
	s6 =	sadd.s32 @!p0 $0x88, s6;
	s7 =	simm.s32 @p2 $0x1082  }
0x22: {  	[simem:s7], [sflag:s8] =	dma.local @!p0 [hbm:s6], $0xF7A  }
0x23: {  	s9 =	sor.u32 $0xD0000000, s2;
	s6 =	simm.s32 $0x108;
	_ =	swait.ge @!p0 [sflag:s8], $0x0  }
0x24: {  	s3 =	sadd.s32 $0x88, s3;
	s6 =	simm.s32 @!p1 $0x1082;
	[sflag:s4] =	ssyncset.s32 $0xFFFFF086  }
0x25: {  	[simem:s6], [sflag:s4] =	dma.local [hbm:s3], $0xF7A  }
0x26: {  	[smem:$0x3F9B] =	sst s1;
	(tag) =	ssettag s2;
	_ =	strace s9  }
0x27: {  	s1 =	sld [smem:$0x3FAB]  }
0x28: {  	s2 =	sld [smem:$0x3FAC]  }
0x29: {  	s4 =	sld [smem:$0x3FAE]  }
0x2a: {  	p0 =	seq.s32 s5, $0x0;
	s5 =	sld [smem:$0x3FAF]  }
0x2b: {  	s6 =	sld [smem:$0x3FB0]  }
0x2c: {  	s7 =	sld [smem:$0x3FB1]  }
0x2d: {  	s3 =	simm.s32 $0x108;
	s8 =	sld [smem:$0x3FB2]  }
0x2e: {  	s3 =	simm.s32 @!p0 $0x1082;
	s9 =	sld [smem:$0x3FB3]  }
0x2f: {  	lr =	sadd.s32 s0, s3;
	s0 =	sld [smem:$0x3FAA]  }
0x30: {  	s3 =	sld [smem:$0x3FAD]  }
0x31: {  	[smem:$0x3FB6] =	sst s10  }
0x32: {  	s10 =	sld [smem:$0x3FB4];
	_ =	sdelay $0x3  }
0x33: {  	p0 =	seq.s32 s10, $0x1;
	s10 =	sld [smem:$0x3FB6];
	_ =	sdelay $0x3  }
0x34: {  	[smem:$0x3FB6] =	sst s10  }
0x35: {  	s10 =	sld [smem:$0x3FB5];
	_ =	sdelay $0x3  }
0x36: {  	p1 =	seq.s32 s10, $0x1;
	s10 =	sld [smem:$0x3FB6];
	_ =	sdelay $0x3  }
0x37: {  	[smem:$0x3FB6] =	sst s10  }
0x38: {  	s10 =	sld [smem:$0x3FB7]  }
0x39: {  	_ = 	snop;
	(pc) =	sbr.ind lr, $3  }
0x3a: {  	_ = 	snop  }
0x3b: {  	_ = 	snop  }
0x3c: {  	p2 =	seq.s32 s10, $0x1;
	s10 =	sld [smem:$0x3FB6]  }
0x3d: {  	_ =	shalt  }
0x3e: {  	_ =	shalt  }
0x3f: {  	_ =	shalt  }
0x40: {  	_ =	shalt  }
0x41: {  	_ =	shalt  }
0x42: {  	_ =	shalt  }
0x43: {  	_ =	shalt  }
0x44: {  	_ =	shalt  }
0x45: {  	_ =	shalt  }
0x46: {  	_ =	shalt  }
0x47: {  	_ =	shalt  }
0x48: {  	_ =	shalt  }
0x49: {  	_ =	shalt  }
0x4a: {  	_ =	shalt  }
0x4b: {  	_ =	shalt  }
0x4c: {  	_ =	shalt  }
0x4d: {  	_ =	shalt  }
0x4e: {  	_ =	shalt  }
0x4f: {  	_ =	shalt  }
0x50: {  	_ =	shalt  }
0x51: {  	_ =	shalt  }
0x52: {  	_ =	shalt  }
0x53: {  	_ =	shalt  }
0x54: {  	_ =	shalt  }
0x55: {  	_ =	shalt  }
0x56: {  	_ =	shalt  }
0x57: {  	_ =	shalt  }
0x58: {  	_ =	shalt  }
0x59: {  	_ =	shalt  }
0x5a: {  	_ =	shalt  }
0x5b: {  	_ =	shalt  }
0x5c: {  	_ =	shalt  }
0x5d: {  	_ =	shalt  }
0x5e: {  	_ =	shalt  }
0x5f: {  	_ =	shalt  }
0x60: {  	_ =	shalt  }
0x61: {  	_ =	shalt  }
0x62: {  	_ =	shalt  }
0x63: {  	_ =	shalt  }
0x64: {  	_ =	shalt  }
0x65: {  	_ =	shalt  }
0x66: {  	_ =	shalt  }
0x67: {  	_ =	shalt  }
0x68: {  	_ =	shalt  }
0x69: {  	_ =	shalt  }
0x6a: {  	_ =	shalt  }
0x6b: {  	_ =	shalt  }
0x6c: {  	_ =	shalt  }
0x6d: {  	_ =	shalt  }
0x6e: {  	_ =	shalt  }
0x6f: {  	_ =	shalt  }
0x70: {  	_ =	shalt  }
0x71: {  	_ =	shalt  }
0x72: {  	_ =	shalt  }
0x73: {  	_ =	shalt  }
0x74: {  	_ =	shalt  }
0x75: {  	_ =	shalt  }
0x76: {  	_ =	shalt  }
0x77: {  	_ =	shalt  }
0x78: {  	_ =	shalt  }
0x79: {  	_ =	shalt  }
0x7a: {  	_ =	shalt  }
0x7b: {  	_ =	shalt  }
0x7c: {  	_ =	shalt  }
0x7d: {  	_ =	shalt  }
0x7e: {  	_ =	shalt  }
0x7f: {  	_ =	shalt  }
0x80: {  	_ =	shalt  }
0x81: {  	_ =	shalt  }
0x82: {  	_ =	shalt  }
0x83: {  	_ =	shalt  }
0x84: {  	_ =	shalt  }
0x85: {  	_ =	shalt  }
0x86: {  	_ =	shalt  }
0x87: {  	_ =	shalt  }
.Lfunc_end0:
.L_simem_size_0:
called_computation_lowered:
.L_overlay_start_0:
0x88: {  	s2 =	sld [smem:$0x3FD9]  }
0x89: {  	s3 =	sld [smem:$0x3FFE];
	_ =	sdelay $0x1  }
0x8a: {  	s1 =	srdreg.scid  }
0x8b: {  	s0 =	sand.u32 $0x1, s1  }
0x8c: {  	s17 =	sshll.u32 s0, $0xA;
	s2 =	sadd.s32 s3, s2  }
0x8d: {  	s2 =	sadd.s32 s2, s17  }
0x8e: {  	[smem:$0x3FC2] =	sst s2  }
0x8f: {  	_ = 	snop  }
0x90: {  	s2 =	sld [smem:$0x3FD0];
	(tm) =	ssettm $0x1  }
0x91: {  	s18 =	sld [smem:$0x3FFB];
	_ =	sdelay $0x3  }
0x92: {  	_ =	strace s18  }
0x93: {  	s3 =	sld [smem:$0x3FFC];
	_ =	sdelay $0x3  }
0x94: {  	_ =	strace s3  }
0x95: {  	s3 =	sld [smem:$0x3FFD];
	_ =	sdelay $0x3  }
0x96: {  	_ =	strace s3  }
0x97: {  	_ =	strace $0x8FFFFFFF  }
0x98: {  	s19 =	sld [smem:$0x3FDB];
	_ =	sdelay $0x1  }
0x99: {  	s4 =	simm.s32 $_scs_section_size  }
0x9a: {  	s5 =	simm.s32 $_size__tile_overlayer_lowered;
	s6 =	simm.s32 $_tile_overlayer_lowered  }
0x9b: {  	s22 =	simm.s32 $0x1BFF;
	s21 =	sshll.u32 s6, $0x1;
	s3 =	sadd.s32 s4, s19  }
0x9c: {  	s7 =	simm.s32 $0x0;
	s20 =	sshll.u32 s5, $0x1;
	s5 =	sadd.s32 s21, s3  }
0x9d: {  	[timem:s7], [sflag:s22] =	dma.local [hbm:s5], s20  }
0x9e: {  	_ =	swait.ge [sflag:s22], s20  }
0x9f: {  	s4 =	ssub.s32 $0x0, s20;
	[sflag:s22] =	ssyncset.done $0x0  }
0xa0: {  	[sflag:s22] =	ssyncadd.s32 s4;
	_ =	sdelay $0x1  }
0xa1: {  	s23 =	simm.s32 $0x1B8B  }
0xa2: {  	_ =	swait.ge [sflag:s23], $0x1  }
0xa3: {  	[sflag:s23] =	ssyncset.done $0x0  }
0xa4: {  	s25 =	simm.s32 $0x1B8E;
	s24 =	sld [smem:$0x3FFE];
	[sflag:s23] =	ssyncadd.s32 $0xFFFFFFFF  }
0xa5: {  	s26 =	simm.s32 $execute0_lowered;
	[smem:$0x3FD2] =	sst s25  }
0xa6: {  	s5 =	sshll.u32 s26, $0x1;
	_ =	strace $0x80000046;
	[dreg:$0x1] =	wrdreg $0xFFFFFFFF  }
0xa7: {  	s28 =	simm.s32 $_size_execute0_lowered;
	s3 =	sadd.s32 s3, s5;
	[dreg:$0x0] =	wrdreg $0x0  }
0xa8: {  	s5 =	sshll.u32 s28, $0x1;
	[dreg:$0x2] =	wrdreg s3  }
0xa9: {  	[dreg:$0x3] =	wrdreg s5  }
0xaa: {  	[dreg:$0x4] =	wrdreg $0xC0  }
0xab: {  	_ =	task [dreg:s7], $0x5FFFF  }
0xac: {  	[dreg:$0x1] =	wrdreg $0xFFFFFFFF  }
0xad: {  	[dreg:$0x0] =	wrdreg $0x60  }
0xae: {  	[dreg:$0x2] =	wrdreg s2  }
0xaf: {  	[dreg:$0x3] =	wrdreg s24  }
0xb0: {  	[dreg:$0x4] =	wrdreg $0x0  }
0xb1: {  	[dreg:$0x5] =	wrdreg $0x140000  }
0xb2: {  	[dreg:$0x6] =	wrdreg $0x9  }
0xb3: {  	_ =	task.clear_ibuf [dreg:s7], $0x7FFFF;
	_ =	strace $0x90000046  }
0xb4: {  	s29 =	simm.s32 $0x9;
	_ =	strace $0x80000048  }
0xb5: {  	_ =	swait.ge [sflag:s29], $0x1  }
0xb6: {  	[sflag:s29] =	ssyncadd.s32 $0xFFFFFFFF  }
0xb7: {  	_ =	strace $0x90000048  }
0xb8: {  	_ =	sfence  }
0xb9: {  	s30 =	sld [smem:$0x0];
	_ =	sdelay $0x2  }
0xba: {  	s31 =	sshll.u32 s1, $0xD;
	s1 =	sshrl.u32 s1, $0x2  }
0xbb: {  	s3 =	sand.u32 $0x4000, s31;
	s1 =	sadd.s32 s1, s30  }
0xbc: {  	s0 =	sor.u32 s3, s0;
	s1 =	sshll.u32 s1, $0x11  }
0xbd: {  	s0 =	sor.u32 s1, s0  }
0xbe: {  	s0 =	sadd.s32 $0x8F2B, s0  }
0xbf: {  	[sflag:s0] =	ssyncadd.remote.s32 $0x1  }
0xc0: {  	_ =	sfence.sel $0xFFFF  }
0xc1: {  	[dreg:$0x0] =	wrdreg $0xFFFFFFFF;
	(pc) =	sbr.abs _section_cstart, $3  }
0xc2: {  	[dreg:$0x1] =	wrdreg $0xFFFFFFFF  }
0xc3: {  	_ =	task.clear_ibuf [dreg:s7], $0x2FFFF;
	_ =	strace $0x9FFFFFFF  }
0xc4: {  	(tm) =	ssettm $0x7FFFFFFF  }
0xc5: {  	_ =	shalt  }
tec
execute0_lowered:
.L_overlay_start_1:
0x0: {  	(tag) =	ssettag $0x1  }
0x1: {  	s1 =	rddreg [dreg:$0x0]  }
0x2: {  	s0 =	rddreg [dreg:$0x1]  }
0x3: {  	s2 =	rddreg [dreg:$0x2]  }
0x4: {  	s3 =	rddreg [dreg:$0x3]  }
0x5: {  	s4 =	srdreg.scid;
	s5 =	simm.s32 $0x0;
	s13 =	stileid.u32  }
0x6: {  	s29 =	simm.s32 $0x14280;
	s30 =	simm.s32 $0x14300;
	s9 =	smul.u32 $0x14000, s13  }
0x7: {  	s31 =	simm.s32 $0x50;
	s28 =	simm.s32 $0x14400;
	s26 =	smul.u32 $0x500, s13  }
0x8: {  	s4 =	sand.u32 $0x1, s4;
	[smem:$0x7FF] =	sst s5;
	s11 =	smul.u32 $0x50000, s13  }
0x9: {  	s6 =	sadd.s32 $0x1600, s0;
	s7 =	sadd.s32 $0x11600, s0;
	s18 =	smul.u32 $0xA00, s13  }
0xa: {  	s19 =	sshll.u32 s13, $0xE;
	s8 =	smul.u32 $0x140000, s4;
	_ =	strace $0x80000047  }
0xb: {  	s10 =	sshll.u32 s4, $0x7;
	s11 =	sshrl.u32 s11, $0x2;
	s23 =	sshrl.u32 s18, $0x2  }
0xc: {  	s8 =	sadd.s32 s9, s8;
	s9 =	sor.u32 s10, s26;
	s10 =	ssub.s32 $0x2, s4  }
0xd: {  	s4 =	sshll.u32 s4, $0x12;
	s8 =	sshrl.u32 s8, $0x3;
	s14 =	sshrl.u32 s10, $0x1  }
0xe: {  	s12 =	sadd.s32 s8, s0;
	s8 =	sshrl.u32 s9, $0x3;
	s9 =	ssub.s32 s10, s14  }
0xf: {  	s0 =	sadd.s32 s8, s0;
	s8 =	sadd.s32 s11, s2;
	s26 =	sadd.s32 $0x21600, s12  }
0x10: {  	s14 =	sor.u32 s19, s4;
	s15 =	sadd.s32 $0x2800, s8;
	[dreg:$0xc] =	wrdreg s26  }
0x11: {  	s4 =	simm.s32 $0x16C80;
	s16 =	sadd.s32 $0x5000, s8;
	[dreg:$0x5] =	wrdreg s15  }
0x12: {  	s10 =	simm.s32 $0x19480;
	s17 =	sadd.s32 $0x7800, s8;
	[dreg:$0x6] =	wrdreg s16  }
0x13: {  	s24 =	sshrl.u32 s14, $0x3;
	s20 =	sadd.s32 $0xA000, s8;
	[dreg:$0x7] =	wrdreg s17  }
0x14: {  	s11 =	simm.s32 $0x2;
	s21 =	sadd.s32 $0xC800, s8;
	[dreg:$0x8] =	wrdreg s20  }
0x15: {  	s12 =	simm.s32 $0x0;
	s22 =	sadd.s32 $0xF000, s8;
	[dreg:$0x9] =	wrdreg s21  }
0x16: {  	s25 =	sadd.s32 $0x11800, s8;
	s18 =	sadd.s32 s24, s6;
	[dreg:$0xa] =	wrdreg s22  }
0x17: {  	s19 =	sadd.s32 s24, s7;
	s0 =	sadd.s32 $0x71600, s0;
	[dreg:$0xb] =	wrdreg s25  }
0x18: {  	s26 =	simm.s32 $0x3;
	s17 =	sadd.s32 s23, s3;
	[dreg:$0xd] =	wrdreg s0  }
0x19: {  	s22 =	smax.u32 s9, $0x1;
	s15 =	sadd.s32 $0x10, s18;
	s16 =	sadd.s32 $0x10, s19  }
0x1a: {  	v0 =	vimm.f32 $1.000000000e+00;
	v1 =	vimm.f32 $0.0e+00;
	s25 =	simm.s32 $0x14480;
	s0 =	simm.s32 $0x14380;
	s9 =	simm.s32 $0x1  }
.LBB2_1:
0x1b: {  	s13 =	simm.s32 $0x0  }
0x1c: {  	[tilespmem:$0x19480] =	vst v0;
	s23 =	sand.u32 $0xFFFFFF80, s13  }
0x1d: {  	[tilespmem:$0x19490] =	vst v0;
	s23 =	ssub.s32 $0x0, s23  }
0x1e: {  	[tilespmem:$0x194A0] =	vst v0;
	s13 =	sand.u32 $0x3FFFFF80, s13;
	s23 =	sand.u32 $0xFFFFFF80, s23  }
0x1f: {  	[tilespmem:$0x194B0] =	vst v0;
	s24 =	sand.u32 $0x70, s5;
	s23 =	sadd.s32 s23, s13  }
0x20: {  	[tilespmem:$0x194C0] =	vst v0;
	s13 =	simm.s32 $0x1;
	s24 =	sor.u32 s24, s23;
	s23 =	simm.s32 $0x0  }
.LBB2_2:
0x21: {  	s20 =	sshll.u32 s13, $0x4;
	p0 =	sne.s32 s13, $0x27F;
	s13 =	sadd.s32 $0x1, s13;
	[tilespmem:s24+$0x14480] =	vst v1  }
.Ltmp0:
0x22: {  	s23 =	sadd.s32 $0x10, s23;
	s24 =	sand.u32 $0xFFFFFF80, s20;
	(pc) =	sbr.rel @p0 .LBB2_2-.Ltmp0, $4  }
0x23: {  	s24 =	ssub.s32 s23, s24  }
0x24: {  	s20 =	sand.u32 $0x3FFFFF80, s20;
	s24 =	sand.u32 $0xFFFFFF80, s24  }
0x25: {  	s21 =	sand.u32 $0x70, s23;
	s20 =	sadd.s32 s24, s20  }
0x26: {  	s24 =	sor.u32 s21, s20  }
0x27: {  	[tilespmem:s24+$0x14480] =	vst v1  }
0x28: {  	[tilespmem:$0x19500] =	vst v1  }
0x29: {  	[tilespmem:$0x19510] =	vst v1  }
0x2a: {  	[tilespmem:$0x19520] =	vst v1  }
0x2b: {  	[tilespmem:$0x19530] =	vst v1  }
0x2c: {  	[tilespmem:$0x19540] =	vst v1  }
0x2d: {  	[tilespmem:$0x19550] =	vst v1  }
0x2e: {  	[tilespmem:$0x19560] =	vst v1  }
0x2f: {  	[tilespmem:$0x19570] =	vst v1  }
0x30: {  	[tilespmem:$0x19580] =	vst v1  }
0x31: {  	[tilespmem:$0x19590] =	vst v1  }
0x32: {  	[tilespmem:$0x195A0] =	vst v1  }
0x33: {  	[tilespmem:$0x195B0] =	vst v1  }
0x34: {  	[tilespmem:$0x195C0] =	vst v1  }
0x35: {  	[tilespmem:$0x195D0] =	vst v1  }
0x36: {  	[tilespmem:$0x195E0] =	vst v1  }
0x37: {  	[tilespmem:$0x195F0] =	vst v1  }
0x38: {  	[tilespmem:$0x19600] =	vst v1  }
0x39: {  	[tilespmem:$0x19610] =	vst v1  }
0x3a: {  	[tilespmem:$0x19620] =	vst v1  }
0x3b: {  	[tilespmem:$0x19630] =	vst v1  }
0x3c: {  	[tilespmem:$0x19640] =	vst v1  }
0x3d: {  	[tilespmem:$0x19650] =	vst v1  }
0x3e: {  	[tilespmem:$0x19660] =	vst v1  }
0x3f: {  	[tilespmem:$0x19670] =	vst v1  }
0x40: {  	[tilespmem:$0x19680] =	vst v1  }
0x41: {  	[tilespmem:$0x19690] =	vst v1  }
0x42: {  	[tilespmem:$0x196A0] =	vst v1  }
0x43: {  	[tilespmem:$0x196B0] =	vst v1  }
0x44: {  	[tilespmem:$0x196C0] =	vst v1  }
0x45: {  	[tilespmem:$0x196D0] =	vst v1  }
0x46: {  	[tilespmem:$0x196E0] =	vst v1  }
0x47: {  	[tilespmem:$0x196F0] =	vst v1  }
0x48: {  	[tilespmem:$0x19700] =	vst v1  }
0x49: {  	[tilespmem:$0x19710] =	vst v1  }
0x4a: {  	[tilespmem:$0x19720] =	vst v1  }
0x4b: {  	[tilespmem:$0x19730] =	vst v1  }
0x4c: {  	[tilespmem:$0x19740] =	vst v1  }
0x4d: {  	[tilespmem:$0x19750] =	vst v1  }
0x4e: {  	[tilespmem:$0x19760] =	vst v1  }
0x4f: {  	[tilespmem:$0x19770] =	vst v1  }
0x50: {  	[spmem:s8] =	stream.linear.scatter [tilespmem:s25], [sflag:$0x3], $0x2800, $0x38;
	[tilespmem:$0x19780] =	vst v63  }
0x51: {  	_ =	swait.ge [sflag:s26], $0x2800  }
0x52: {  	[sflag:s26] =	ssyncset.done $0x0  }
0x53: {  	s13 =	rddreg [dreg:$0x5];
	[sflag:s26] =	ssyncadd.s32 $0xFFFFD800  }
0x54: {  	[spmem:s13] =	stream.linear.scatter [tilespmem:s25], [sflag:$0x3], $0x2800, $0x38;
	[tilespmem:$0x19780] =	vst v63  }
0x55: {  	_ =	swait.ge [sflag:s26], $0x2800  }
0x56: {  	[sflag:s26] =	ssyncset.done $0x0  }
0x57: {  	s24 =	rddreg [dreg:$0x6];
	[sflag:s26] =	ssyncadd.s32 $0xFFFFD800  }
0x58: {  	[spmem:s24] =	stream.linear.scatter [tilespmem:s25], [sflag:$0x3], $0x2800, $0x38;
	[tilespmem:$0x19780] =	vst v63  }
0x59: {  	_ =	swait.ge [sflag:s26], $0x2800  }
0x5a: {  	[sflag:s26] =	ssyncset.done $0x0  }
0x5b: {  	s20 =	rddreg [dreg:$0x7];
	[sflag:s26] =	ssyncadd.s32 $0xFFFFD800  }
0x5c: {  	[spmem:s20] =	stream.linear.scatter [tilespmem:s25], [sflag:$0x3], $0x2800, $0x38;
	[tilespmem:$0x19780] =	vst v63  }
0x5d: {  	_ =	swait.ge [sflag:s26], $0x2800  }
0x5e: {  	[sflag:s26] =	ssyncset.done $0x0  }
0x5f: {  	s21 =	rddreg [dreg:$0x8];
	[sflag:s26] =	ssyncadd.s32 $0xFFFFD800  }
0x60: {  	[spmem:s21] =	stream.linear.scatter [tilespmem:s25], [sflag:$0x3], $0x2800, $0x38;
	[tilespmem:$0x19780] =	vst v63  }
0x61: {  	_ =	swait.ge [sflag:s26], $0x2800  }
0x62: {  	[sflag:s26] =	ssyncset.done $0x0  }
0x63: {  	s23 =	rddreg [dreg:$0x9];
	[sflag:s26] =	ssyncadd.s32 $0xFFFFD800  }
0x64: {  	[spmem:s23] =	stream.linear.scatter [tilespmem:s25], [sflag:$0x3], $0x2800, $0x38;
	[tilespmem:$0x19780] =	vst v63  }
0x65: {  	_ =	swait.ge [sflag:s26], $0x2800  }
0x66: {  	[sflag:s26] =	ssyncset.done $0x0  }
0x67: {  	s24 =	rddreg [dreg:$0xa];
	[sflag:s26] =	ssyncadd.s32 $0xFFFFD800  }
0x68: {  	[spmem:s24] =	stream.linear.scatter [tilespmem:s25], [sflag:$0x3], $0x2800, $0x38;
	[tilespmem:$0x19780] =	vst v63  }
0x69: {  	_ =	swait.ge [sflag:s26], $0x2800  }
0x6a: {  	[sflag:s26] =	ssyncset.done $0x0  }
0x6b: {  	s20 =	rddreg [dreg:$0xb];
	[sflag:s26] =	ssyncadd.s32 $0xFFFFD800  }
0x6c: {  	[spmem:s20] =	stream.linear.scatter [tilespmem:s25], [sflag:$0x3], $0x2800, $0x38;
	[tilespmem:$0x19780] =	vst v63  }
0x6d: {  	_ =	swait.ge [sflag:s26], $0x2800  }
0x6e: {  	[sflag:s26] =	ssyncset.done $0x0  }
0x6f: {  	s21 =	simm.s32 $0x19500;
	[sflag:s26] =	ssyncadd.s32 $0xFFFFD800  }
0x70: {  	[spmem:s17] =	stream.linear.scatter [tilespmem:s21], [sflag:$0x3], $0x280, $0x38;
	[tilespmem:$0x19780] =	vst v63  }
0x71: {  	_ =	swait.ge [sflag:s26], $0x280  }
0x72: {  	[sflag:s26] =	ssyncset.done $0x0  }
0x73: {  	[sflag:s26] =	ssyncadd.s32 $0xFFFFFD80  }
0x74: {  	[bflag:$0x0] =	sbarrier.arrive $0xFFFF  }
0x75: {  	[tilespmem:s29], [sflag:$0x3] =	stream.linear.gather [hbm4b:s18+s5], $0x80, $0x38;
	[tilespmem:$0x19780] =	vst v63  }
0x76: {  	_ =	swait.ge [sflag:s26], $0x80  }
0x77: {  	[sflag:s26] =	ssyncset.done $0x0  }
0x78: {  	[sflag:s26] =	ssyncadd.s32 $0xFFFFFF80  }
0x79: {  	[tilespmem:s30], [sflag:$0x3] =	stream.linear.gather [hbm4b:s19+s5], $0x80, $0x38;
	[tilespmem:$0x19780] =	vst v63  }
0x7a: {  	_ =	swait.ge [sflag:s26], $0x80  }
0x7b: {  	[sflag:s26] =	ssyncset.done $0x0  }
0x7c: {  	[sflag:s26] =	ssyncadd.s32 $0xFFFFFF80  }
0x7d: {  	[tilespmem:s25], [sflag:$0x1] =	stream.indirect.gather [hbm4b:s1+s31], $0x80, s29, s31, $0xb8;
	[tilespmem:$0x19780] =	vst v63  }
0x7e: {  	_ = 	snop  }
0x7f: {  	[tilespmem:s0], [sflag:$0x3] =	stream.linear.gather [hbm4b:s15+s5], $0x80, $0x38;
	[tilespmem:$0x19780] =	vst v63  }
0x80: {  	_ =	swait.ge [sflag:s26], $0x80  }
0x81: {  	[sflag:s26] =	ssyncset.done $0x0  }
0x82: {  	[sflag:s26] =	ssyncadd.s32 $0xFFFFFF80  }
0x83: {  	[tilespmem:s28], [sflag:$0x3] =	stream.linear.gather [hbm4b:s16+s5], $0x80, $0x38;
	[tilespmem:$0x19780] =	vst v63  }
0x84: {  	_ =	swait.ge [sflag:s26], $0x80  }
0x85: {  	[sflag:s26] =	ssyncset.done $0x0  }
0x86: {  	[sflag:s26] =	ssyncadd.s32 $0xFFFFFF80  }
0x87: {  	[tilespmem:s4], [sflag:$0x2] =	stream.indirect.gather [hbm4b:s1+s31], $0x80, s0, s31, $0xb8;
	[tilespmem:$0x19780] =	vst v63  }
0x88: {  	_ =	swait.ge [sflag:s9], $0x2800  }
0x89: {  	[sflag:s9] =	ssyncset.done $0x0  }
0x8a: {  	[sflag:s9] =	ssyncadd.s32 $0xFFFFD800  }
0x8b: {  	[spmem:s2] =	stream.indirect.scatter.add.f32 [tilespmem:s25], [sflag:$0x3], $0x80, s30, s31, $0xb8;
	[tilespmem:$0x19780] =	vst v63  }
0x8c: {  	s23 =	simm.s32 $0x100;
	_ =	swait.ge [sflag:s26], $0x2800  }
0x8d: {  	s20 =	sand.u32 $0x7C00, s23;
	[sflag:s26] =	ssyncset.done $0x0  }
0x8e: {  	s13 =	sand.u32 $0x300, s23;
	s20 =	sadd.s32 s14, s20;
	[sflag:s26] =	ssyncadd.s32 $0xFFFFD800  }
0x8f: {  	[spmem:s3] =	stream.indirect.scatter.add.f32 [tilespmem:s10], [sflag:$0x3], $0x1, s30, s31, $0xb8;
	[tilespmem:$0x19780] =	vst v63  }
0x90: {  	s13 =	sor.u32 s13, s20;
	_ =	swait.ge [sflag:s26], $0x50  }
0x91: {  	s13 =	sshrl.u32 s13, $0x3;
	[sflag:s26] =	ssyncset.done $0x0  }
0x92: {  	s24 =	sadd.s32 s6, s13;
	[sflag:s26] =	ssyncadd.s32 $0xFFFFFFB0  }
0x93: {  	[tilespmem:s29], [sflag:$0x3] =	stream.linear.gather [hbm4b:s24+s5], $0x80, $0x38;
	[tilespmem:$0x19780] =	vst v63  }
0x94: {  	_ =	swait.ge [sflag:s26], $0x80  }
0x95: {  	[sflag:s26] =	ssyncset.done $0x0  }
0x96: {  	s13 =	sadd.s32 s7, s13;
	[sflag:s26] =	ssyncadd.s32 $0xFFFFFF80  }
0x97: {  	[tilespmem:s30], [sflag:$0x3] =	stream.linear.gather [hbm4b:s13+s5], $0x80, $0x38;
	[tilespmem:$0x19780] =	vst v63  }
0x98: {  	_ =	swait.ge [sflag:s26], $0x80  }
0x99: {  	[sflag:s26] =	ssyncset.done $0x0  }
0x9a: {  	[sflag:s26] =	ssyncadd.s32 $0xFFFFFF80  }
0x9b: {  	[tilespmem:s25], [sflag:$0x1] =	stream.indirect.gather [hbm4b:s1+s31], $0x80, s29, s31, $0xb8;
	[tilespmem:$0x19780] =	vst v63  }
0x9c: {  	_ =	swait.ge [sflag:s11], $0x2800  }
0x9d: {  	[sflag:s11] =	ssyncset.done $0x0  }
0x9e: {  	[sflag:s11] =	ssyncadd.s32 $0xFFFFD800  }
0x9f: {  	[spmem:s2] =	stream.indirect.scatter.add.f32 [tilespmem:s4], [sflag:$0x3], $0x80, s28, s31, $0xb8;
	[tilespmem:$0x19780] =	vst v63  }
0xa0: {  	_ =	swait.ge [sflag:s26], $0x2800  }
0xa1: {  	[sflag:s26] =	ssyncset.done $0x0  }
0xa2: {  	s23 =	smov.u32 s15;
	[sflag:s26] =	ssyncadd.s32 $0xFFFFD800  }
0xa3: {  	[spmem:s3] =	stream.indirect.scatter.add.f32 [tilespmem:s10], [sflag:$0x3], $0x1, s28, s31, $0xb8;
	[tilespmem:$0x19780] =	vst v63  }
0xa4: {  	s24 =	smov.u32 s16;
	s13 =	simm.s32 $0x200;
	_ =	swait.ge [sflag:s26], $0x50  }
.LBB2_4:
0xa5: {  	[sflag:s26] =	ssyncset.done $0x0  }
0xa6: {  	s23 =	sadd.s32 $0x20, s23;
	s24 =	sadd.s32 $0x20, s24;
	s20 =	smov.u32 s13  }
0xa7: {  	p0 =	sne.s32 s13, $0x3E00;
	s13 =	sadd.s32 $0x100, s13;
	[sflag:s26] =	ssyncadd.s32 $0xFFFFFFB0  }
0xa8: {  	[tilespmem:s0], [sflag:$0x3] =	stream.linear.gather [hbm4b:s23+s5], $0x80, $0x38;
	[tilespmem:$0x19780] =	vst v63  }
0xa9: {  	_ =	swait.ge [sflag:s26], $0x80  }
0xaa: {  	[sflag:s26] =	ssyncset.done $0x0  }
0xab: {  	[sflag:s26] =	ssyncadd.s32 $0xFFFFFF80  }
0xac: {  	[tilespmem:s28], [sflag:$0x3] =	stream.linear.gather [hbm4b:s24+s5], $0x80, $0x38;
	[tilespmem:$0x19780] =	vst v63  }
0xad: {  	_ =	swait.ge [sflag:s26], $0x80  }
0xae: {  	[sflag:s26] =	ssyncset.done $0x0  }
0xaf: {  	[sflag:s26] =	ssyncadd.s32 $0xFFFFFF80  }
0xb0: {  	[tilespmem:s4], [sflag:$0x2] =	stream.indirect.gather [hbm4b:s1+s31], $0x80, s0, s31, $0xb8;
	[tilespmem:$0x19780] =	vst v63  }
0xb1: {  	_ =	swait.ge [sflag:s9], $0x2800  }
0xb2: {  	[sflag:s9] =	ssyncset.done $0x0  }
0xb3: {  	[sflag:s9] =	ssyncadd.s32 $0xFFFFD800  }
0xb4: {  	[spmem:s2] =	stream.indirect.scatter.add.f32 [tilespmem:s25], [sflag:$0x3], $0x80, s30, s31, $0xb8;
	[tilespmem:$0x19780] =	vst v63  }
0xb5: {  	_ =	swait.ge [sflag:s26], $0x2800  }
0xb6: {  	s21 =	sand.u32 $0x7C00, s20;
	[sflag:s26] =	ssyncset.done $0x0  }
0xb7: {  	s20 =	sand.u32 $0x300, s20;
	s21 =	sadd.s32 s14, s21;
	[sflag:s26] =	ssyncadd.s32 $0xFFFFD800  }
0xb8: {  	[spmem:s3] =	stream.indirect.scatter.add.f32 [tilespmem:s10], [sflag:$0x3], $0x1, s30, s31, $0xb8;
	[tilespmem:$0x19780] =	vst v63  }
0xb9: {  	s20 =	sor.u32 s20, s21;
	_ =	swait.ge [sflag:s26], $0x50  }
0xba: {  	s20 =	sshrl.u32 s20, $0x3;
	[sflag:s26] =	ssyncset.done $0x0  }
0xbb: {  	s21 =	sadd.s32 s6, s20;
	[sflag:s26] =	ssyncadd.s32 $0xFFFFFFB0  }
0xbc: {  	[tilespmem:s29], [sflag:$0x3] =	stream.linear.gather [hbm4b:s21+s5], $0x80, $0x38;
	[tilespmem:$0x19780] =	vst v63  }
0xbd: {  	_ =	swait.ge [sflag:s26], $0x80  }
0xbe: {  	s20 =	sadd.s32 s7, s20;
	[sflag:s26] =	ssyncset.done $0x0  }
0xbf: {  	[sflag:s26] =	ssyncadd.s32 $0xFFFFFF80  }
0xc0: {  	[tilespmem:s30], [sflag:$0x3] =	stream.linear.gather [hbm4b:s20+s5], $0x80, $0x38;
	[tilespmem:$0x19780] =	vst v63  }
0xc1: {  	_ =	swait.ge [sflag:s26], $0x80  }
0xc2: {  	[sflag:s26] =	ssyncset.done $0x0  }
0xc3: {  	[sflag:s26] =	ssyncadd.s32 $0xFFFFFF80  }
0xc4: {  	[tilespmem:s25], [sflag:$0x1] =	stream.indirect.gather [hbm4b:s1+s31], $0x80, s29, s31, $0xb8;
	[tilespmem:$0x19780] =	vst v63  }
0xc5: {  	_ =	swait.ge [sflag:s11], $0x2800  }
0xc6: {  	[sflag:s11] =	ssyncset.done $0x0  }
0xc7: {  	[sflag:s11] =	ssyncadd.s32 $0xFFFFD800  }
0xc8: {  	[spmem:s2] =	stream.indirect.scatter.add.f32 [tilespmem:s4], [sflag:$0x3], $0x80, s28, s31, $0xb8;
	[tilespmem:$0x19780] =	vst v63  }
.Ltmp1:
0xc9: {  	_ =	swait.ge [sflag:s26], $0x2800;
	(pc) =	sbr.rel @p0 .LBB2_4-.Ltmp1, $4  }
0xca: {  	[sflag:s26] =	ssyncset.done $0x0  }
0xcb: {  	[sflag:s26] =	ssyncadd.s32 $0xFFFFD800  }
0xcc: {  	[spmem:s3] =	stream.indirect.scatter.add.f32 [tilespmem:s10], [sflag:$0x3], $0x1, s28, s31, $0xb8;
	[tilespmem:$0x19780] =	vst v63  }
0xcd: {  	_ =	swait.ge [sflag:s26], $0x50  }
0xce: {  	[sflag:s26] =	ssyncset.done $0x0  }
0xcf: {  	[sflag:s26] =	ssyncadd.s32 $0xFFFFFFB0  }
0xd0: {  	_ =	swait.ge [sflag:s9], $0x2800  }
0xd1: {  	[sflag:s9] =	ssyncset.done $0x0  }
0xd2: {  	[sflag:s9] =	ssyncadd.s32 $0xFFFFD800  }
0xd3: {  	[spmem:s2] =	stream.indirect.scatter.add.f32 [tilespmem:s25], [sflag:$0x3], $0x80, s30, s31, $0xb8;
	[tilespmem:$0x19780] =	vst v63  }
0xd4: {  	_ =	swait.ge [sflag:s26], $0x2800  }
0xd5: {  	[sflag:s26] =	ssyncset.done $0x0  }
0xd6: {  	[sflag:s26] =	ssyncadd.s32 $0xFFFFD800  }
0xd7: {  	[spmem:s3] =	stream.indirect.scatter.add.f32 [tilespmem:s10], [sflag:$0x3], $0x1, s30, s31, $0xb8;
	[tilespmem:$0x19780] =	vst v63  }
0xd8: {  	_ =	swait.ge [sflag:s26], $0x50  }
0xd9: {  	[sflag:s26] =	ssyncset.done $0x0  }
0xda: {  	s13 =	stileid.u32;
	[sflag:s26] =	ssyncadd.s32 $0xFFFFFFB0  }
0xdb: {  	s20 =	sshrl.u32 s8, $0x3;
	s13 =	sshll.u32 s13, $0x6;
	[bflag:$0x0] =	sbarrier.arrive $0xFFFF  }
0xdc: {  	s23 =	simm.s32 $0x20;
	s13 =	sor.u32 $0x1C03, s13;
	s21 =	rddreg [dreg:$0xc]  }
0xdd: {  	[hbm:s21], [sflag:s13] =	dma.local [spmem:s20], $0x2800  }
0xde: {  	s24 =	simm.s32 $0x10;
	s12 =	sadd.s32 $0x1, s12;
	_ =	swait.ge [sflag:s26], $0x2800  }
0xdf: {  	p0 =	sne.s32 s12, s22;
	s20 =	sshrl.u32 s17, $0x3;
	[sflag:s26] =	ssyncset.done $0x0  }
.Ltmp2:
0xe0: {  	s21 =	rddreg [dreg:$0xd];
	[sflag:s26] =	ssyncadd.s32 $0xFFFFD800;
	(pc) =	sbr.rel @p0 .LBB2_1-.Ltmp2, $4  }
0xe1: {  	[hbm:s21@s23], [sflag:s13] =	dma.strided [spmem:s20@s24], $0x50, s9, $0x10   }
0xe2: {  	_ =	swait.ge [sflag:s26], $0x50  }
0xe3: {  	[sflag:s26] =	ssyncset.done $0x0  }
0xe4: {  	[sflag:s26] =	ssyncadd.s32 $0xFFFFFFB0  }
0xe5: {  	_ =	sfence.sel $0x180000  }
0xe6: {  	[bflag:$0x0] =	sbarrier.arrive $0xFFFF  }
0xe7: {  	_ =	strace $0x90000047  }
0xe8: {  	s0 =	stileid.u32;
	[bflag:$0x2] =	sbarrier.arrive $0xFFFF  }
0xe9: {  	p0 =	sne.s32 s0, $0x0;
	s0 =	rddreg [dreg:$0x4]  }
0xea: {  	s0 =	sadd.s32 @!p0 $0x100000, s0  }
0xeb: {  	[sflag:s0] =	ssyncadd.tile.s32 @!p0 $0x1;
	_ =	shalt  }
.Lfunc_end2:
_tile_overlayer_lowered:
.L_overlay_start_2:
0xec: {  	(tag) =	ssettag $0x2  }
0xed: {  	s0 =	rddreg [dreg:$0x0];
	s2 =	stileid.u32  }
0xee: {  	s1 =	rddreg [dreg:$0x1];
	p0 =	sne.s32 s2, $0x0  }
0xef: {  	s3 =	rddreg [dreg:$0x2];
	[bflag:$0x3] =	sbarrier.arrive $0xFFFF;
	s2 =	simm.s32 @!p0 $0x1C03  }
0xf0: {  	[timem:s3], [sflag:s2] =	dma.local @!p0 [hbm:s0], s1  }
0xf1: {  	s0 =	simm.s32 @!p0 $0x3  }
0xf2: {  	_ =	swait.ge @!p0 [sflag:s0], s1  }
0xf3: {  	s1 =	ssub.s32 @!p0 $0x0, s1;
	[sflag:s0] =	ssyncset.done @!p0 $0x0  }
0xf4: {  	[sflag:s0] =	ssyncadd.s32 @!p0 s1  }
0xf5: {  	[bflag:$0x3] =	sbarrier.arrive $0xFFFF  }
0xf6: {  	_ =	shalt  }

</sc_bundles>
